<compile_context>
chip_gen: v7x
topology: tpu7x:2x2x1
jax: 0.10.2.dev20260603
libtpu: 0.0.44.dev20260713+nightly
codegen_flags: <defaults>
</compile_context>

<pallas_src>
import jax
import jax.numpy as jnp
from jax import lax
from jax.experimental import pallas as pl
from jax.experimental.pallas import tpu as pltpu
from jax.experimental.pallas import tpu_sc as plsc

N_TILE = 4096
WIN = 32


def _cross_rows(ax, ay, az, bx, by, bz):
    return (ay * bz - az * by, az * bx - ax * bz, ax * by - ay * bx)


def _solve_from_moments(mom, nn, cell):
    ninv = 1.0 / nn
    ax_, ay_, az_ = mom[0:1], mom[1:2], mom[2:3]
    px_, py_, pz_ = mom[3:4], mom[4:5], mom[5:6]
    cx_, cy_, cz_ = mom[6:7], mom[7:8], mom[8:9]
    q = mom[9:10]
    oxx, oyy, ozz = mom[10:11], mom[11:12], mom[12:13]
    oxy, oxz, oyz = mom[13:14], mom[14:15], mom[15:16]

    mean_x, mean_y, mean_z = ax_ * ninv, ay_ * ninv, az_ * ninv
    com_x, com_y, com_z = px_ * ninv, py_ * ninv, pz_ * ninv
    kx, ky, kz = _cross_rows(px_, py_, pz_, ax_, ay_, az_)
    tx = cx_ - kx * ninv
    ty = cy_ - ky * ninv
    tz = cz_ - kz * ninv
    s = q - (px_ * px_ + py_ * py_ + pz_ * pz_) * ninv
    a = oxx - px_ * px_ * ninv - s
    d = oyy - py_ * py_ * ninv - s
    f = ozz - pz_ * pz_ * ninv - s
    b = oxy - px_ * py_ * ninv
    c = oxz - px_ * pz_ * ninv
    e = oyz - py_ * pz_ * ninv

    det = a * (d * f - e * e) - b * (b * f - e * c) + c * (b * e - d * c)
    dinv = 1.0 / det
    i00 = d * f - e * e
    i01 = c * e - b * f
    i02 = b * e - c * d
    i11 = a * f - c * c
    i12 = b * c - a * e
    i22 = a * d - b * b
    mux = -(i00 * tx + i01 * ty + i02 * tz) * dinv
    muy = -(i01 * tx + i11 * ty + i12 * tz) * dinv
    muz = -(i02 * tx + i12 * ty + i22 * tz) * dinv
    rx = tx + a * mux + b * muy + c * muz
    ry = ty + b * mux + d * muy + e * muz
    rz = tz + c * mux + e * muy + f * muz
    mux = mux - (i00 * rx + i01 * ry + i02 * rz) * dinv
    muy = muy - (i01 * rx + i11 * ry + i12 * rz) * dinv
    muz = muz - (i02 * rx + i12 * ry + i22 * rz) * dinv

    nopbc = jnp.all(cell == 0.0, axis=0, keepdims=True)
    zero = jnp.zeros_like(mux)
    mux = jnp.where(nopbc, mux, zero)
    muy = jnp.where(nopbc, muy, zero)
    muz = jnp.where(nopbc, muz, zero)

    return jnp.concatenate(
        [mean_x, mean_y, mean_z, com_x, com_y, com_z, mux, muy, muz,
         zero, zero, zero, zero, zero, zero, zero], axis=0)


def _mlp_moments_body(x_ref, w1_ref, b1_ref, w2_ref, b2_ref, pos_ref,
                      sw_ref, ew_ref, bj_ref, nn_ref, cell_ref,
                      pred_ref, table_ref, seg_ref, mom_ref):
    t = pl.program_id(0)
    nt = pl.num_programs(0)
    h = jax.nn.gelu(jnp.dot(x_ref[...], w1_ref[...],
                            preferred_element_type=jnp.float32) + b1_ref[...])
    pred = jax.lax.dot_general(w2_ref[...], h, (((0,), (1,)), ((), ())),
                               preferred_element_type=jnp.float32) + b2_ref[...]
    pred_ref[...] = pred

    pos = pos_ref[...]
    px, py, pz = pos[0:1], pos[1:2], pos[2:3]
    fx, fy, fz = pred[0:1], pred[1:2], pred[2:3]
    cx, cy, cz = _cross_rows(px, py, pz, fx, fy, fz)
    rsq = px * px + py * py + pz * pz
    feats = jnp.concatenate(
        [fx, fy, fz, px, py, pz, cx, cy, cz, rsq,
         px * px, py * py, pz * pz, px * py, px * pz, py * pz], axis=0)

    ids = jax.lax.broadcasted_iota(jnp.int32, (1, N_TILE), 1) + t * N_TILE
    sw = sw_ref[0]
    ew = ew_ref[0]
    onehot = jnp.where((ids >= sw) & (ids < ew), 1.0, 0.0)
    part = jax.lax.dot_general(feats, onehot, (((1,), (1,)), ((), ())),
                               preferred_element_type=jnp.float32)

    bj = bj_ref[0]
    giota = jax.lax.broadcasted_iota(jnp.int32, (WIN, mom_ref.shape[1]), 1)
    eqw = jnp.where(giota == bj, 1.0, 0.0)
    contrib = jnp.dot(part, eqw, preferred_element_type=jnp.float32)

    inwin = (ids >= sw) & (ids < ew)
    seg_ref[...] = jnp.sum(jnp.where(inwin, bj, 0), axis=0, keepdims=True)

    @pl.when(t == 0)
    def _():
        mom_ref[...] = contrib

    @pl.when(t > 0)
    def _():
        mom_ref[...] += contrib

    @pl.when(t == nt - 1)
    def _():
        table_ref[...] = _solve_from_moments(mom_ref[...], nn_ref[...],
                                             cell_ref[...])


SC_NC = 2
SC_NS = 16
SC_L = 16


def _apply_sc_body(pred_hbm, pos_hbm, tab_hbm, seg_hbm, out_hbm,
                   fxv, fyv, fzv, pxv, pyv, pzv, segv, tabv, outv):
    npw = segv.shape[0]
    n = pred_hbm.shape[0] // 3
    wid = lax.axis_index("s") * SC_NC + lax.axis_index("c")
    base = wid * npw
    pltpu.sync_copy(pred_hbm.at[pl.ds(base, npw)], fxv)
    pltpu.sync_copy(pred_hbm.at[pl.ds(n + base, npw)], fyv)
    pltpu.sync_copy(pred_hbm.at[pl.ds(2 * n + base, npw)], fzv)
    pltpu.sync_copy(pos_hbm.at[pl.ds(base, npw)], pxv)
    pltpu.sync_copy(pos_hbm.at[pl.ds(n + base, npw)], pyv)
    pltpu.sync_copy(pos_hbm.at[pl.ds(2 * n + base, npw)], pzv)
    pltpu.sync_copy(seg_hbm.at[pl.ds(base, npw)], segv)
    pltpu.sync_copy(tab_hbm, tabv)

    nb = tab_hbm.shape[0] // 16

    @plsc.parallel_loop(0, npw // SC_L, unroll=8)
    def chunk(k):
        off = k * SC_L
        idx = segv[pl.ds(off, SC_L)]
        def gat(comp):
            return plsc.load_gather(tabv, [idx + comp * nb])
        mx, my, mz = gat(0), gat(1), gat(2)
        ox_, oy_, oz_ = gat(3), gat(4), gat(5)
        ux, uy, uz = gat(6), gat(7), gat(8)
        rx = pxv[pl.ds(off, SC_L)] - ox_
        ry = pyv[pl.ds(off, SC_L)] - oy_
        rz = pzv[pl.ds(off, SC_L)] - oz_
        outv[pl.ds(off, SC_L)] = fxv[pl.ds(off, SC_L)] - mx + (ry * uz - rz * uy)
        outv[pl.ds(npw + off, SC_L)] = fyv[pl.ds(off, SC_L)] - my + (rz * ux - rx * uz)
        outv[pl.ds(2 * npw + off, SC_L)] = fzv[pl.ds(off, SC_L)] - mz + (rx * uy - ry * ux)

    pltpu.sync_copy(outv.at[pl.ds(0, npw)], out_hbm.at[pl.ds(base, npw)])
    pltpu.sync_copy(outv.at[pl.ds(npw, npw)], out_hbm.at[pl.ds(n + base, npw)])
    pltpu.sync_copy(outv.at[pl.ds(2 * npw, npw)],
                    out_hbm.at[pl.ds(2 * n + base, npw)])


def _apply_sc(pred_t, pos_t, table, seg):
    n = pred_t.shape[1]
    npw = n // (SC_NC * SC_NS)
    mesh = plsc.VectorSubcoreMesh(core_axis_name="c", subcore_axis_name="s")
    run = pl.kernel(
        _apply_sc_body,
        mesh=mesh,
        compiler_params=pltpu.CompilerParams(
            needs_layout_passes=False, use_tc_tiling_on_sc=False,
            skip_device_barrier=True),
        out_type=jax.ShapeDtypeStruct((3 * n,), jnp.float32),
        scratch_types=[
            pltpu.VMEM((npw,), jnp.float32),
            pltpu.VMEM((npw,), jnp.float32),
            pltpu.VMEM((npw,), jnp.float32),
            pltpu.VMEM((npw,), jnp.float32),
            pltpu.VMEM((npw,), jnp.float32),
            pltpu.VMEM((npw,), jnp.float32),
            pltpu.VMEM((npw,), jnp.int32),
            pltpu.VMEM((16 * 512,), jnp.float32),
            pltpu.VMEM((3 * npw,), jnp.float32),
        ],
    )
    return run(pred_t.reshape(3 * n), pos_t.reshape(3 * n),
               table.reshape(-1), seg).reshape(3, n).T


def kernel(x, positions, cell, n_node, W1, b1, W2, b2):
    N = x.shape[0]
    B = n_node.shape[0]
    T = N // N_TILE

    nn = n_node.astype(jnp.int32)
    ends = jnp.cumsum(nn)
    starts = ends - nn
    tile_starts = jnp.arange(T, dtype=jnp.int32) * N_TILE
    base = jnp.searchsorted(ends, tile_starts, side='right').astype(jnp.int32)
    win = base[:, None] + jnp.arange(WIN, dtype=jnp.int32)[None, :]
    valid = win < B
    winc = jnp.clip(win, 0, B - 1)
    s_w = jnp.where(valid, starts[winc], N).astype(jnp.int32)
    e_w = jnp.where(valid, ends[winc], N).astype(jnp.int32)
    bj = jnp.where(valid, win, -1).astype(jnp.int32)
    sw3 = s_w.reshape(T, WIN, 1)
    ew3 = e_w.reshape(T, WIN, 1)
    bjc = bj.reshape(T, WIN, 1)
    bjr = bj.reshape(T, 1, WIN)
    nnf = n_node.astype(jnp.float32).reshape(1, B)
    cell_t = cell.reshape(B, 9).T
    pos_t = positions.T

    pred_t, table, seg = pl.pallas_call(
        _mlp_moments_body,
        grid=(T,),
        in_specs=[
            pl.BlockSpec((N_TILE, 128), lambda t: (t, 0)),
            pl.BlockSpec((128, 128), lambda t: (0, 0)),
            pl.BlockSpec((1, 128), lambda t: (0, 0)),
            pl.BlockSpec((128, 3), lambda t: (0, 0)),
            pl.BlockSpec((3, 1), lambda t: (0, 0)),
            pl.BlockSpec((3, N_TILE), lambda t: (0, t)),
            pl.BlockSpec((1, WIN, 1), lambda t: (t, 0, 0)),
            pl.BlockSpec((1, WIN, 1), lambda t: (t, 0, 0)),
            pl.BlockSpec((1, WIN, 1), lambda t: (t, 0, 0)),
            pl.BlockSpec((1, B), lambda t: (0, 0)),
            pl.BlockSpec((9, B), lambda t: (0, 0)),
        ],
        out_specs=[
            pl.BlockSpec((3, N_TILE), lambda t: (0, t)),
            pl.BlockSpec((16, B), lambda t: (0, 0)),
            pl.BlockSpec((1, N_TILE), lambda t: (0, t)),
        ],
        out_shape=[
            jax.ShapeDtypeStruct((3, N), jnp.float32),
            jax.ShapeDtypeStruct((16, B), jnp.float32),
            jax.ShapeDtypeStruct((1, N), jnp.int32),
        ],
        scratch_shapes=[pltpu.VMEM((16, B), jnp.float32)],
        compiler_params=pltpu.CompilerParams(
            dimension_semantics=("arbitrary",)),
    )(x, W1, b1.reshape(1, 128), W2, b2.reshape(3, 1), pos_t, sw3, ew3, bjc,
      nnf, cell_t)

    return _apply_sc(pred_t, pos_t, table, seg.reshape(N))

# --- scband reference (transcript-rebuilt; emitter-appended) ---
"""Pipeline reference for scband-node-head-43490838839546 (READ-ONLY COPY).

The authoritative reference and input builder live on the scoring server;
editing this copy changes nothing except your own understanding.
"""

import jax, jax.numpy as jnp
import numpy as np

N_NODES = 102400
N_GRAPHS = 512
LATENT = 128
HIDDEN = 128


def _build_n_node():
    n = np.full(N_GRAPHS, N_NODES // N_GRAPHS, dtype=np.int64)
    n[: N_GRAPHS // 2] += 50
    n[N_GRAPHS // 2:] -= 50
    assert int(n.sum()) == N_NODES
    return jnp.asarray(n)


def setup_inputs(seed: int = 0) -> dict:
    key = jax.random.key(seed)
    k1, k2, k3, k4 = jax.random.split(key, 4)
    x = jax.random.normal(k1, (N_NODES, LATENT), dtype=jnp.float32)
    positions = jax.random.normal(k2, (N_NODES, 3), dtype=jnp.float32) * 5.0
    cell = jnp.zeros((N_GRAPHS, 3, 3), dtype=jnp.float32)
    n_node = _build_n_node()
    W1 = jax.random.normal(k3, (LATENT, HIDDEN), dtype=jnp.float32) / jnp.sqrt(float(LATENT))
    b1 = jnp.zeros((HIDDEN,), dtype=jnp.float32)
    W2 = jax.random.normal(k4, (HIDDEN, 3), dtype=jnp.float32) / jnp.sqrt(float(HIDDEN))
    b2 = jnp.zeros((3,), dtype=jnp.float32)
    return {'x': x, 'positions': positions, 'cell': cell, 'n_node': n_node,
            'W1': W1, 'b1': b1, 'W2': W2, 'b2': b2}


def _remove_net_torque(positions, forces, seg, counts, B):
    com = jax.ops.segment_sum(positions, seg, num_segments=B) / counts[:, None]
    r = positions - com[seg]
    torques = jnp.cross(r, forces)
    tau = jax.ops.segment_sum(torques, seg, num_segments=B)
    r_sq = jnp.sum(r ** 2, axis=1)
    s = jax.ops.segment_sum(r_sq, seg, num_segments=B)
    outer = r[:, :, None] * r[:, None, :]
    S = jax.ops.segment_sum(outer, seg, num_segments=B)
    I = jnp.eye(3, dtype=positions.dtype)[None, :, :]
    M = S - s[:, None, None] * I
    b = -tau
    mu = jnp.linalg.solve(M, b[:, :, None])[:, :, 0]
    forces_delta = jnp.cross(r, mu[seg])
    return forces + forces_delta


def reference(x, positions, cell, n_node, W1, b1, W2, b2):
    N = x.shape[0]
    B = n_node.shape[0]
    # MLP head (num_mlp_layers=1 hidden layer, GELU)
    h = jax.nn.gelu(x @ W1 + b1)
    pred = h @ W2 + b2  # [N, 3]
    # ScalarNormalizer.inverse with default running stats (mean=0, var=1): identity
    seg = jnp.repeat(jnp.arange(B), n_node, total_repeat_length=N)
    counts = n_node.astype(pred.dtype)
    # remove_mean: subtract per-graph mean of predicted forces
    mean = jax.ops.segment_sum(pred, seg, num_segments=B) / counts[:, None]
    pred = pred - mean[seg]
    # remove net torque for non-PBC systems (cell all zero)
    nopbc = jnp.all(cell == 0.0, axis=(1, 2))
    adjusted = _remove_net_torque(positions, pred, seg, counts, B)
    pred = jnp.where(nopbc[seg][:, None], adjusted, pred)
    return pred

if __name__ == "__main__":
    import jax
    _d = setup_inputs()
    print(jax.jit(kernel)(*tuple(_d.values())))

</pallas_src>

<mosaic_0001>
#map = affine_map<(d0, d1) -> (0)>
module attributes {stable_mosaic.version = 14 : i64} {
  func.func @_apply_sc_body(%arg0: i32, %arg1: i32, %arg2: memref<307200xf32, #tpu.memory_space<hbm>>, %arg3: memref<307200xf32, #tpu.memory_space<hbm>>, %arg4: memref<8192xf32, #tpu.memory_space<hbm>>, %arg5: memref<102400xi32, #tpu.memory_space<hbm>>, %arg6: memref<307200xf32, #tpu.memory_space<hbm>>, %arg7: memref<3200xf32, #tpu.memory_space<vmem>>, %arg8: memref<3200xf32, #tpu.memory_space<vmem>>, %arg9: memref<3200xf32, #tpu.memory_space<vmem>>, %arg10: memref<3200xf32, #tpu.memory_space<vmem>>, %arg11: memref<3200xf32, #tpu.memory_space<vmem>>, %arg12: memref<3200xf32, #tpu.memory_space<vmem>>, %arg13: memref<3200xi32, #tpu.memory_space<vmem>>, %arg14: memref<8192xf32, #tpu.memory_space<vmem>>, %arg15: memref<9600xf32, #tpu.memory_space<vmem>>) attributes {dimension_semantics = [#tpu.dimension_semantics<core_parallel>, #tpu.dimension_semantics<subcore_parallel>], iteration_bounds = array<i64: 2, 16>, scalar_prefetch = 0 : i64, scratch_operands = 9 : i64, tpu.core_type = #tpu.core_type<sc_vector_subcore>, window_params = [{transform_indices = #map}, {transform_indices = #map}, {transform_indices = #map}, {transform_indices = #map}, {transform_indices = #map}]} {
    %mul3A = arith.constant 2 : i32
    %mul3A_0 = arith.muli %arg1, %mul3A : i32
    %add3A = arith.addi %mul3A_0, %arg0 : i32
    %mul3A_1 = arith.constant 3200 : i32
    %mul3A_2 = arith.muli %add3A, %mul3A_1 : i32
    "tpu.region"() ({
      %run_scoped3A = tpu.sem_alloc : memref<!tpu.dma_semaphore, #tpu.memory_space<semaphore_mem>>
      %dma_start3A = tpu.memref_slice %arg2[%mul3A_2] : memref<307200xf32, #tpu.memory_space<hbm>> -> memref<3200xf32, #tpu.memory_space<hbm>>
      %dma_start3A_17 = tpu.memref_slice %arg2[%mul3A_2] : memref<307200xf32, #tpu.memory_space<hbm>> -> memref<3200xf32, #tpu.memory_space<hbm>>
      tpu.enqueue_dma source(%dma_start3A_17 : memref<3200xf32, #tpu.memory_space<hbm>>) target(%arg7 : memref<3200xf32, #tpu.memory_space<vmem>>) target_semaphore(%run_scoped3A : memref<!tpu.dma_semaphore, #tpu.memory_space<semaphore_mem>>)
      %dma_wait3A = tpu.memref_slice %arg2[%mul3A_2] : memref<307200xf32, #tpu.memory_space<hbm>> -> memref<3200xf32, #tpu.memory_space<hbm>>
      %dma_wait3A_18 = tpu.memref_slice %arg2[%mul3A_2] : memref<307200xf32, #tpu.memory_space<hbm>> -> memref<3200xf32, #tpu.memory_space<hbm>>
      tpu.wait_dma2 semaphore(%run_scoped3A : memref<!tpu.dma_semaphore, #tpu.memory_space<semaphore_mem>>) src(%dma_wait3A_18 : memref<3200xf32, #tpu.memory_space<hbm>>) dst(%arg7 : memref<3200xf32, #tpu.memory_space<vmem>>)
      tpu.yield
    }) : () -> ()
    %add3A_3 = arith.constant 102400 : i32
    %add3A_4 = arith.addi %add3A_3, %mul3A_2 : i32
    "tpu.region"() ({
      %run_scoped3A = tpu.sem_alloc : memref<!tpu.dma_semaphore, #tpu.memory_space<semaphore_mem>>
      %dma_start3A = tpu.memref_slice %arg2[%add3A_4] : memref<307200xf32, #tpu.memory_space<hbm>> -> memref<3200xf32, #tpu.memory_space<hbm>>
      %dma_start3A_17 = tpu.memref_slice %arg2[%add3A_4] : memref<307200xf32, #tpu.memory_space<hbm>> -> memref<3200xf32, #tpu.memory_space<hbm>>
      tpu.enqueue_dma source(%dma_start3A_17 : memref<3200xf32, #tpu.memory_space<hbm>>) target(%arg8 : memref<3200xf32, #tpu.memory_space<vmem>>) target_semaphore(%run_scoped3A : memref<!tpu.dma_semaphore, #tpu.memory_space<semaphore_mem>>)
      %dma_wait3A = tpu.memref_slice %arg2[%add3A_4] : memref<307200xf32, #tpu.memory_space<hbm>> -> memref<3200xf32, #tpu.memory_space<hbm>>
      %dma_wait3A_18 = tpu.memref_slice %arg2[%add3A_4] : memref<307200xf32, #tpu.memory_space<hbm>> -> memref<3200xf32, #tpu.memory_space<hbm>>
      tpu.wait_dma2 semaphore(%run_scoped3A : memref<!tpu.dma_semaphore, #tpu.memory_space<semaphore_mem>>) src(%dma_wait3A_18 : memref<3200xf32, #tpu.memory_space<hbm>>) dst(%arg8 : memref<3200xf32, #tpu.memory_space<vmem>>)
      tpu.yield
    }) : () -> ()
    %add3A_5 = arith.constant 204800 : i32
    %add3A_6 = arith.addi %add3A_5, %mul3A_2 : i32
    "tpu.region"() ({
      %run_scoped3A = tpu.sem_alloc : memref<!tpu.dma_semaphore, #tpu.memory_space<semaphore_mem>>
      %dma_start3A = tpu.memref_slice %arg2[%add3A_6] : memref<307200xf32, #tpu.memory_space<hbm>> -> memref<3200xf32, #tpu.memory_space<hbm>>
      %dma_start3A_17 = tpu.memref_slice %arg2[%add3A_6] : memref<307200xf32, #tpu.memory_space<hbm>> -> memref<3200xf32, #tpu.memory_space<hbm>>
      tpu.enqueue_dma source(%dma_start3A_17 : memref<3200xf32, #tpu.memory_space<hbm>>) target(%arg9 : memref<3200xf32, #tpu.memory_space<vmem>>) target_semaphore(%run_scoped3A : memref<!tpu.dma_semaphore, #tpu.memory_space<semaphore_mem>>)
      %dma_wait3A = tpu.memref_slice %arg2[%add3A_6] : memref<307200xf32, #tpu.memory_space<hbm>> -> memref<3200xf32, #tpu.memory_space<hbm>>
      %dma_wait3A_18 = tpu.memref_slice %arg2[%add3A_6] : memref<307200xf32, #tpu.memory_space<hbm>> -> memref<3200xf32, #tpu.memory_space<hbm>>
      tpu.wait_dma2 semaphore(%run_scoped3A : memref<!tpu.dma_semaphore, #tpu.memory_space<semaphore_mem>>) src(%dma_wait3A_18 : memref<3200xf32, #tpu.memory_space<hbm>>) dst(%arg9 : memref<3200xf32, #tpu.memory_space<vmem>>)
      tpu.yield
    }) : () -> ()
    "tpu.region"() ({
      %run_scoped3A = tpu.sem_alloc : memref<!tpu.dma_semaphore, #tpu.memory_space<semaphore_mem>>
      %dma_start3A = tpu.memref_slice %arg3[%mul3A_2] : memref<307200xf32, #tpu.memory_space<hbm>> -> memref<3200xf32, #tpu.memory_space<hbm>>
      %dma_start3A_17 = tpu.memref_slice %arg3[%mul3A_2] : memref<307200xf32, #tpu.memory_space<hbm>> -> memref<3200xf32, #tpu.memory_space<hbm>>
      tpu.enqueue_dma source(%dma_start3A_17 : memref<3200xf32, #tpu.memory_space<hbm>>) target(%arg10 : memref<3200xf32, #tpu.memory_space<vmem>>) target_semaphore(%run_scoped3A : memref<!tpu.dma_semaphore, #tpu.memory_space<semaphore_mem>>)
      %dma_wait3A = tpu.memref_slice %arg3[%mul3A_2] : memref<307200xf32, #tpu.memory_space<hbm>> -> memref<3200xf32, #tpu.memory_space<hbm>>
      %dma_wait3A_18 = tpu.memref_slice %arg3[%mul3A_2] : memref<307200xf32, #tpu.memory_space<hbm>> -> memref<3200xf32, #tpu.memory_space<hbm>>
      tpu.wait_dma2 semaphore(%run_scoped3A : memref<!tpu.dma_semaphore, #tpu.memory_space<semaphore_mem>>) src(%dma_wait3A_18 : memref<3200xf32, #tpu.memory_space<hbm>>) dst(%arg10 : memref<3200xf32, #tpu.memory_space<vmem>>)
      tpu.yield
    }) : () -> ()
    %add3A_7 = arith.constant 102400 : i32
    %add3A_8 = arith.addi %add3A_7, %mul3A_2 : i32
    "tpu.region"() ({
      %run_scoped3A = tpu.sem_alloc : memref<!tpu.dma_semaphore, #tpu.memory_space<semaphore_mem>>
      %dma_start3A = tpu.memref_slice %arg3[%add3A_8] : memref<307200xf32, #tpu.memory_space<hbm>> -> memref<3200xf32, #tpu.memory_space<hbm>>
      %dma_start3A_17 = tpu.memref_slice %arg3[%add3A_8] : memref<307200xf32, #tpu.memory_space<hbm>> -> memref<3200xf32, #tpu.memory_space<hbm>>
      tpu.enqueue_dma source(%dma_start3A_17 : memref<3200xf32, #tpu.memory_space<hbm>>) target(%arg11 : memref<3200xf32, #tpu.memory_space<vmem>>) target_semaphore(%run_scoped3A : memref<!tpu.dma_semaphore, #tpu.memory_space<semaphore_mem>>)
      %dma_wait3A = tpu.memref_slice %arg3[%add3A_8] : memref<307200xf32, #tpu.memory_space<hbm>> -> memref<3200xf32, #tpu.memory_space<hbm>>
      %dma_wait3A_18 = tpu.memref_slice %arg3[%add3A_8] : memref<307200xf32, #tpu.memory_space<hbm>> -> memref<3200xf32, #tpu.memory_space<hbm>>
      tpu.wait_dma2 semaphore(%run_scoped3A : memref<!tpu.dma_semaphore, #tpu.memory_space<semaphore_mem>>) src(%dma_wait3A_18 : memref<3200xf32, #tpu.memory_space<hbm>>) dst(%arg11 : memref<3200xf32, #tpu.memory_space<vmem>>)
      tpu.yield
    }) : () -> ()
    %add3A_9 = arith.constant 204800 : i32
    %add3A_10 = arith.addi %add3A_9, %mul3A_2 : i32
    "tpu.region"() ({
      %run_scoped3A = tpu.sem_alloc : memref<!tpu.dma_semaphore, #tpu.memory_space<semaphore_mem>>
      %dma_start3A = tpu.memref_slice %arg3[%add3A_10] : memref<307200xf32, #tpu.memory_space<hbm>> -> memref<3200xf32, #tpu.memory_space<hbm>>
      %dma_start3A_17 = tpu.memref_slice %arg3[%add3A_10] : memref<307200xf32, #tpu.memory_space<hbm>> -> memref<3200xf32, #tpu.memory_space<hbm>>
      tpu.enqueue_dma source(%dma_start3A_17 : memref<3200xf32, #tpu.memory_space<hbm>>) target(%arg12 : memref<3200xf32, #tpu.memory_space<vmem>>) target_semaphore(%run_scoped3A : memref<!tpu.dma_semaphore, #tpu.memory_space<semaphore_mem>>)
      %dma_wait3A = tpu.memref_slice %arg3[%add3A_10] : memref<307200xf32, #tpu.memory_space<hbm>> -> memref<3200xf32, #tpu.memory_space<hbm>>
      %dma_wait3A_18 = tpu.memref_slice %arg3[%add3A_10] : memref<307200xf32, #tpu.memory_space<hbm>> -> memref<3200xf32, #tpu.memory_space<hbm>>
      tpu.wait_dma2 semaphore(%run_scoped3A : memref<!tpu.dma_semaphore, #tpu.memory_space<semaphore_mem>>) src(%dma_wait3A_18 : memref<3200xf32, #tpu.memory_space<hbm>>) dst(%arg12 : memref<3200xf32, #tpu.memory_space<vmem>>)
      tpu.yield
    }) : () -> ()
    "tpu.region"() ({
      %run_scoped3A = tpu.sem_alloc : memref<!tpu.dma_semaphore, #tpu.memory_space<semaphore_mem>>
      %dma_start3A = tpu.memref_slice %arg5[%mul3A_2] : memref<102400xi32, #tpu.memory_space<hbm>> -> memref<3200xi32, #tpu.memory_space<hbm>>
      %dma_start3A_17 = tpu.memref_slice %arg5[%mul3A_2] : memref<102400xi32, #tpu.memory_space<hbm>> -> memref<3200xi32, #tpu.memory_space<hbm>>
      tpu.enqueue_dma source(%dma_start3A_17 : memref<3200xi32, #tpu.memory_space<hbm>>) target(%arg13 : memref<3200xi32, #tpu.memory_space<vmem>>) target_semaphore(%run_scoped3A : memref<!tpu.dma_semaphore, #tpu.memory_space<semaphore_mem>>)
      %dma_wait3A = tpu.memref_slice %arg5[%mul3A_2] : memref<102400xi32, #tpu.memory_space<hbm>> -> memref<3200xi32, #tpu.memory_space<hbm>>
      %dma_wait3A_18 = tpu.memref_slice %arg5[%mul3A_2] : memref<102400xi32, #tpu.memory_space<hbm>> -> memref<3200xi32, #tpu.memory_space<hbm>>
      tpu.wait_dma2 semaphore(%run_scoped3A : memref<!tpu.dma_semaphore, #tpu.memory_space<semaphore_mem>>) src(%dma_wait3A_18 : memref<3200xi32, #tpu.memory_space<hbm>>) dst(%arg13 : memref<3200xi32, #tpu.memory_space<vmem>>)
      tpu.yield
    }) : () -> ()
    "tpu.region"() ({
      %run_scoped3A = tpu.sem_alloc : memref<!tpu.dma_semaphore, #tpu.memory_space<semaphore_mem>>
      tpu.enqueue_dma source(%arg4 : memref<8192xf32, #tpu.memory_space<hbm>>) target(%arg14 : memref<8192xf32, #tpu.memory_space<vmem>>) target_semaphore(%run_scoped3A : memref<!tpu.dma_semaphore, #tpu.memory_space<semaphore_mem>>)
      tpu.wait_dma2 semaphore(%run_scoped3A : memref<!tpu.dma_semaphore, #tpu.memory_space<semaphore_mem>>) src(%arg4 : memref<8192xf32, #tpu.memory_space<hbm>>) dst(%arg14 : memref<8192xf32, #tpu.memory_space<vmem>>)
      tpu.yield
    }) : () -> ()
    %parallel_loop3A = arith.constant 0 : i32
    %parallel_loop3A_11 = arith.constant 200 : i32
    %parallel_loop3A_12 = arith.constant 1 : i32
    scf.for %parallel_loop3A_17 = %parallel_loop3A to %parallel_loop3A_11 step %parallel_loop3A_12  : i32 {
      %parallel_loop3A_18 = arith.constant 16 : i32
      %parallel_loop3A_19 = arith.muli %parallel_loop3A_17, %parallel_loop3A_18 : i32
      %parallel_loop3A_20 = arith.index_cast %parallel_loop3A_19 : i32 to index
      %parallel_loop3A_21 = tpu.vector_load %arg13[%parallel_loop3A_20] {strides = array<i32>} : memref<3200xi32, #tpu.memory_space<vmem>>, vector<16xi32>,
      %parallel_loop3A_22 = arith.constant 0 : i32
      %parallel_loop3A_23 = vector.broadcast %parallel_loop3A_22 : i32 to vector<16xi32>
      %parallel_loop3A_24 = arith.addi %parallel_loop3A_21, %parallel_loop3A_23 : vector<16xi32>
      %parallel_loop3A_25 = tpu.vector_load_idx %arg14[%parallel_loop3A_24] : memref<8192xf32, #tpu.memory_space<vmem>>[vector<16xi32>], vector<16xf32>,
      %parallel_loop3A_26 = arith.constant 512 : i32
      %parallel_loop3A_27 = vector.broadcast %parallel_loop3A_26 : i32 to vector<16xi32>
      %parallel_loop3A_28 = arith.addi %parallel_loop3A_21, %parallel_loop3A_27 : vector<16xi32>
      %parallel_loop3A_29 = tpu.vector_load_idx %arg14[%parallel_loop3A_28] : memref<8192xf32, #tpu.memory_space<vmem>>[vector<16xi32>], vector<16xf32>,
      %parallel_loop3A_30 = arith.constant 1024 : i32
      %parallel_loop3A_31 = vector.broadcast %parallel_loop3A_30 : i32 to vector<16xi32>
      %parallel_loop3A_32 = arith.addi %parallel_loop3A_21, %parallel_loop3A_31 : vector<16xi32>
      %parallel_loop3A_33 = tpu.vector_load_idx %arg14[%parallel_loop3A_32] : memref<8192xf32, #tpu.memory_space<vmem>>[vector<16xi32>], vector<16xf32>,
      %parallel_loop3A_34 = arith.constant 1536 : i32
      %parallel_loop3A_35 = vector.broadcast %parallel_loop3A_34 : i32 to vector<16xi32>
      %parallel_loop3A_36 = arith.addi %parallel_loop3A_21, %parallel_loop3A_35 : vector<16xi32>
      %parallel_loop3A_37 = tpu.vector_load_idx %arg14[%parallel_loop3A_36] : memref<8192xf32, #tpu.memory_space<vmem>>[vector<16xi32>], vector<16xf32>,
      %parallel_loop3A_38 = arith.constant 2048 : i32
      %parallel_loop3A_39 = vector.broadcast %parallel_loop3A_38 : i32 to vector<16xi32>
      %parallel_loop3A_40 = arith.addi %parallel_loop3A_21, %parallel_loop3A_39 : vector<16xi32>
      %parallel_loop3A_41 = tpu.vector_load_idx %arg14[%parallel_loop3A_40] : memref<8192xf32, #tpu.memory_space<vmem>>[vector<16xi32>], vector<16xf32>,
      %parallel_loop3A_42 = arith.constant 2560 : i32
      %parallel_loop3A_43 = vector.broadcast %parallel_loop3A_42 : i32 to vector<16xi32>
      %parallel_loop3A_44 = arith.addi %parallel_loop3A_21, %parallel_loop3A_43 : vector<16xi32>
      %parallel_loop3A_45 = tpu.vector_load_idx %arg14[%parallel_loop3A_44] : memref<8192xf32, #tpu.memory_space<vmem>>[vector<16xi32>], vector<16xf32>,
      %parallel_loop3A_46 = arith.constant 3072 : i32
      %parallel_loop3A_47 = vector.broadcast %parallel_loop3A_46 : i32 to vector<16xi32>
      %parallel_loop3A_48 = arith.addi %parallel_loop3A_21, %parallel_loop3A_47 : vector<16xi32>
      %parallel_loop3A_49 = tpu.vector_load_idx %arg14[%parallel_loop3A_48] : memref<8192xf32, #tpu.memory_space<vmem>>[vector<16xi32>], vector<16xf32>,
      %parallel_loop3A_50 = arith.constant 3584 : i32
      %parallel_loop3A_51 = vector.broadcast %parallel_loop3A_50 : i32 to vector<16xi32>
      %parallel_loop3A_52 = arith.addi %parallel_loop3A_21, %parallel_loop3A_51 : vector<16xi32>
      %parallel_loop3A_53 = tpu.vector_load_idx %arg14[%parallel_loop3A_52] : memref<8192xf32, #tpu.memory_space<vmem>>[vector<16xi32>], vector<16xf32>,
      %parallel_loop3A_54 = arith.constant 4096 : i32
      %parallel_loop3A_55 = vector.broadcast %parallel_loop3A_54 : i32 to vector<16xi32>
      %parallel_loop3A_56 = arith.addi %parallel_loop3A_21, %parallel_loop3A_55 : vector<16xi32>
      %parallel_loop3A_57 = tpu.vector_load_idx %arg14[%parallel_loop3A_56] : memref<8192xf32, #tpu.memory_space<vmem>>[vector<16xi32>], vector<16xf32>,
      %parallel_loop3A_58 = arith.index_cast %parallel_loop3A_19 : i32 to index
      %parallel_loop3A_59 = tpu.vector_load %arg10[%parallel_loop3A_58] {strides = array<i32>} : memref<3200xf32, #tpu.memory_space<vmem>>, vector<16xf32>,
      %parallel_loop3A_60 = arith.subf %parallel_loop3A_59, %parallel_loop3A_37 : vector<16xf32>
      %parallel_loop3A_61 = arith.index_cast %parallel_loop3A_19 : i32 to index
      %parallel_loop3A_62 = tpu.vector_load %arg11[%parallel_loop3A_61] {strides = array<i32>} : memref<3200xf32, #tpu.memory_space<vmem>>, vector<16xf32>,
      %parallel_loop3A_63 = arith.subf %parallel_loop3A_62, %parallel_loop3A_41 : vector<16xf32>
      %parallel_loop3A_64 = arith.index_cast %parallel_loop3A_19 : i32 to index
      %parallel_loop3A_65 = tpu.vector_load %arg12[%parallel_loop3A_64] {strides = array<i32>} : memref<3200xf32, #tpu.memory_space<vmem>>, vector<16xf32>,
      %parallel_loop3A_66 = arith.subf %parallel_loop3A_65, %parallel_loop3A_45 : vector<16xf32>
      %parallel_loop3A_67 = arith.index_cast %parallel_loop3A_19 : i32 to index
      %parallel_loop3A_68 = tpu.vector_load %arg7[%parallel_loop3A_67] {strides = array<i32>} : memref<3200xf32, #tpu.memory_space<vmem>>, vector<16xf32>,
      %parallel_loop3A_69 = arith.subf %parallel_loop3A_68, %parallel_loop3A_25 : vector<16xf32>
      %parallel_loop3A_70 = arith.mulf %parallel_loop3A_63, %parallel_loop3A_57 : vector<16xf32>
      %parallel_loop3A_71 = arith.mulf %parallel_loop3A_66, %parallel_loop3A_53 : vector<16xf32>
      %parallel_loop3A_72 = arith.subf %parallel_loop3A_70, %parallel_loop3A_71 : vector<16xf32>
      %parallel_loop3A_73 = arith.addf %parallel_loop3A_69, %parallel_loop3A_72 : vector<16xf32>
      %parallel_loop3A_74 = arith.index_cast %parallel_loop3A_19 : i32 to index
      %parallel_loop3A_75 = tpu.vector_load %arg15[%parallel_loop3A_74] {strides = array<i32>} : memref<9600xf32, #tpu.memory_space<vmem>>, vector<16xf32>,
      tpu.vector_store %arg15[%parallel_loop3A_74], %parallel_loop3A_73 {strides = array<i32>} : memref<9600xf32, #tpu.memory_space<vmem>>, vector<16xf32>,
      %parallel_loop3A_76 = arith.index_cast %parallel_loop3A_19 : i32 to index
      %parallel_loop3A_77 = tpu.vector_load %arg8[%parallel_loop3A_76] {strides = array<i32>} : memref<3200xf32, #tpu.memory_space<vmem>>, vector<16xf32>,
      %parallel_loop3A_78 = arith.subf %parallel_loop3A_77, %parallel_loop3A_29 : vector<16xf32>
      %parallel_loop3A_79 = arith.mulf %parallel_loop3A_66, %parallel_loop3A_49 : vector<16xf32>
      %parallel_loop3A_80 = arith.mulf %parallel_loop3A_60, %parallel_loop3A_57 : vector<16xf32>
      %parallel_loop3A_81 = arith.subf %parallel_loop3A_79, %parallel_loop3A_80 : vector<16xf32>
      %parallel_loop3A_82 = arith.addf %parallel_loop3A_78, %parallel_loop3A_81 : vector<16xf32>
      %parallel_loop3A_83 = arith.constant 3200 : i32
      %parallel_loop3A_84 = arith.addi %parallel_loop3A_83, %parallel_loop3A_19 : i32
      %parallel_loop3A_85 = arith.index_cast %parallel_loop3A_84 : i32 to index
      %parallel_loop3A_86 = tpu.vector_load %arg15[%parallel_loop3A_85] {strides = array<i32>} : memref<9600xf32, #tpu.memory_space<vmem>>, vector<16xf32>,
      tpu.vector_store %arg15[%parallel_loop3A_85], %parallel_loop3A_82 {strides = array<i32>} : memref<9600xf32, #tpu.memory_space<vmem>>, vector<16xf32>,
      %parallel_loop3A_87 = arith.index_cast %parallel_loop3A_19 : i32 to index
      %parallel_loop3A_88 = tpu.vector_load %arg9[%parallel_loop3A_87] {strides = array<i32>} : memref<3200xf32, #tpu.memory_space<vmem>>, vector<16xf32>,
      %parallel_loop3A_89 = arith.subf %parallel_loop3A_88, %parallel_loop3A_33 : vector<16xf32>
      %parallel_loop3A_90 = arith.mulf %parallel_loop3A_60, %parallel_loop3A_53 : vector<16xf32>
      %parallel_loop3A_91 = arith.mulf %parallel_loop3A_63, %parallel_loop3A_49 : vector<16xf32>
      %parallel_loop3A_92 = arith.subf %parallel_loop3A_90, %parallel_loop3A_91 : vector<16xf32>
      %parallel_loop3A_93 = arith.addf %parallel_loop3A_89, %parallel_loop3A_92 : vector<16xf32>
      %parallel_loop3A_94 = arith.constant 6400 : i32
      %parallel_loop3A_95 = arith.addi %parallel_loop3A_94, %parallel_loop3A_19 : i32
      %parallel_loop3A_96 = arith.index_cast %parallel_loop3A_95 : i32 to index
      %parallel_loop3A_97 = tpu.vector_load %arg15[%parallel_loop3A_96] {strides = array<i32>} : memref<9600xf32, #tpu.memory_space<vmem>>, vector<16xf32>,
      tpu.vector_store %arg15[%parallel_loop3A_96], %parallel_loop3A_93 {strides = array<i32>} : memref<9600xf32, #tpu.memory_space<vmem>>, vector<16xf32>,
    } {sc.loop_unroll_factor = 8 : i64, sc.parallel_access}
    "tpu.region"() ({
      %run_scoped3A = tpu.sem_alloc : memref<!tpu.dma_semaphore, #tpu.memory_space<semaphore_mem>>
      %dma_start3A = arith.constant 0 : i32
      %dma_start3A_17 = tpu.memref_slice %arg15[%dma_start3A] : memref<9600xf32, #tpu.memory_space<vmem>> -> memref<3200xf32, #tpu.memory_space<vmem>>
      %dma_start3A_18 = tpu.memref_slice %arg6[%mul3A_2] : memref<307200xf32, #tpu.memory_space<hbm>> -> memref<3200xf32, #tpu.memory_space<hbm>>
      %dma_start3A_19 = tpu.memref_slice %arg6[%mul3A_2] : memref<307200xf32, #tpu.memory_space<hbm>> -> memref<3200xf32, #tpu.memory_space<hbm>>
      %dma_start3A_20 = arith.constant 0 : i32
      %dma_start3A_21 = tpu.memref_slice %arg15[%dma_start3A_20] : memref<9600xf32, #tpu.memory_space<vmem>> -> memref<3200xf32, #tpu.memory_space<vmem>>
      tpu.enqueue_dma source(%dma_start3A_21 : memref<3200xf32, #tpu.memory_space<vmem>>) target(%dma_start3A_19 : memref<3200xf32, #tpu.memory_space<hbm>>) target_semaphore(%run_scoped3A : memref<!tpu.dma_semaphore, #tpu.memory_space<semaphore_mem>>)
      %dma_wait3A = arith.constant 0 : i32
      %dma_wait3A_22 = tpu.memref_slice %arg15[%dma_wait3A] : memref<9600xf32, #tpu.memory_space<vmem>> -> memref<3200xf32, #tpu.memory_space<vmem>>
      %dma_wait3A_23 = tpu.memref_slice %arg6[%mul3A_2] : memref<307200xf32, #tpu.memory_space<hbm>> -> memref<3200xf32, #tpu.memory_space<hbm>>
      %dma_wait3A_24 = tpu.memref_slice %arg6[%mul3A_2] : memref<307200xf32, #tpu.memory_space<hbm>> -> memref<3200xf32, #tpu.memory_space<hbm>>
      %dma_wait3A_25 = arith.constant 0 : i32
      %dma_wait3A_26 = tpu.memref_slice %arg15[%dma_wait3A_25] : memref<9600xf32, #tpu.memory_space<vmem>> -> memref<3200xf32, #tpu.memory_space<vmem>>
      tpu.wait_dma2 semaphore(%run_scoped3A : memref<!tpu.dma_semaphore, #tpu.memory_space<semaphore_mem>>) src(%dma_wait3A_26 : memref<3200xf32, #tpu.memory_space<vmem>>) dst(%dma_wait3A_24 : memref<3200xf32, #tpu.memory_space<hbm>>)
      tpu.yield
    }) : () -> ()
    %add3A_13 = arith.constant 102400 : i32
    %add3A_14 = arith.addi %add3A_13, %mul3A_2 : i32
    "tpu.region"() ({
      %run_scoped3A = tpu.sem_alloc : memref<!tpu.dma_semaphore, #tpu.memory_space<semaphore_mem>>
      %dma_start3A = arith.constant 3200 : i32
      %dma_start3A_17 = tpu.memref_slice %arg15[%dma_start3A] : memref<9600xf32, #tpu.memory_space<vmem>> -> memref<3200xf32, #tpu.memory_space<vmem>>
      %dma_start3A_18 = tpu.memref_slice %arg6[%add3A_14] : memref<307200xf32, #tpu.memory_space<hbm>> -> memref<3200xf32, #tpu.memory_space<hbm>>
      %dma_start3A_19 = tpu.memref_slice %arg6[%add3A_14] : memref<307200xf32, #tpu.memory_space<hbm>> -> memref<3200xf32, #tpu.memory_space<hbm>>
      %dma_start3A_20 = arith.constant 3200 : i32
      %dma_start3A_21 = tpu.memref_slice %arg15[%dma_start3A_20] : memref<9600xf32, #tpu.memory_space<vmem>> -> memref<3200xf32, #tpu.memory_space<vmem>>
      tpu.enqueue_dma source(%dma_start3A_21 : memref<3200xf32, #tpu.memory_space<vmem>>) target(%dma_start3A_19 : memref<3200xf32, #tpu.memory_space<hbm>>) target_semaphore(%run_scoped3A : memref<!tpu.dma_semaphore, #tpu.memory_space<semaphore_mem>>)
      %dma_wait3A = arith.constant 3200 : i32
      %dma_wait3A_22 = tpu.memref_slice %arg15[%dma_wait3A] : memref<9600xf32, #tpu.memory_space<vmem>> -> memref<3200xf32, #tpu.memory_space<vmem>>
      %dma_wait3A_23 = tpu.memref_slice %arg6[%add3A_14] : memref<307200xf32, #tpu.memory_space<hbm>> -> memref<3200xf32, #tpu.memory_space<hbm>>
      %dma_wait3A_24 = tpu.memref_slice %arg6[%add3A_14] : memref<307200xf32, #tpu.memory_space<hbm>> -> memref<3200xf32, #tpu.memory_space<hbm>>
      %dma_wait3A_25 = arith.constant 3200 : i32
      %dma_wait3A_26 = tpu.memref_slice %arg15[%dma_wait3A_25] : memref<9600xf32, #tpu.memory_space<vmem>> -> memref<3200xf32, #tpu.memory_space<vmem>>
      tpu.wait_dma2 semaphore(%run_scoped3A : memref<!tpu.dma_semaphore, #tpu.memory_space<semaphore_mem>>) src(%dma_wait3A_26 : memref<3200xf32, #tpu.memory_space<vmem>>) dst(%dma_wait3A_24 : memref<3200xf32, #tpu.memory_space<hbm>>)
      tpu.yield
    }) : () -> ()
    %add3A_15 = arith.constant 204800 : i32
    %add3A_16 = arith.addi %add3A_15, %mul3A_2 : i32
    "tpu.region"() ({
      %run_scoped3A = tpu.sem_alloc : memref<!tpu.dma_semaphore, #tpu.memory_space<semaphore_mem>>
      %dma_start3A = arith.constant 6400 : i32
      %dma_start3A_17 = tpu.memref_slice %arg15[%dma_start3A] : memref<9600xf32, #tpu.memory_space<vmem>> -> memref<3200xf32, #tpu.memory_space<vmem>>
      %dma_start3A_18 = tpu.memref_slice %arg6[%add3A_16] : memref<307200xf32, #tpu.memory_space<hbm>> -> memref<3200xf32, #tpu.memory_space<hbm>>
      %dma_start3A_19 = tpu.memref_slice %arg6[%add3A_16] : memref<307200xf32, #tpu.memory_space<hbm>> -> memref<3200xf32, #tpu.memory_space<hbm>>
      %dma_start3A_20 = arith.constant 6400 : i32
      %dma_start3A_21 = tpu.memref_slice %arg15[%dma_start3A_20] : memref<9600xf32, #tpu.memory_space<vmem>> -> memref<3200xf32, #tpu.memory_space<vmem>>
      tpu.enqueue_dma source(%dma_start3A_21 : memref<3200xf32, #tpu.memory_space<vmem>>) target(%dma_start3A_19 : memref<3200xf32, #tpu.memory_space<hbm>>) target_semaphore(%run_scoped3A : memref<!tpu.dma_semaphore, #tpu.memory_space<semaphore_mem>>)
      %dma_wait3A = arith.constant 6400 : i32
      %dma_wait3A_22 = tpu.memref_slice %arg15[%dma_wait3A] : memref<9600xf32, #tpu.memory_space<vmem>> -> memref<3200xf32, #tpu.memory_space<vmem>>
      %dma_wait3A_23 = tpu.memref_slice %arg6[%add3A_16] : memref<307200xf32, #tpu.memory_space<hbm>> -> memref<3200xf32, #tpu.memory_space<hbm>>
      %dma_wait3A_24 = tpu.memref_slice %arg6[%add3A_16] : memref<307200xf32, #tpu.memory_space<hbm>> -> memref<3200xf32, #tpu.memory_space<hbm>>
      %dma_wait3A_25 = arith.constant 6400 : i32
      %dma_wait3A_26 = tpu.memref_slice %arg15[%dma_wait3A_25] : memref<9600xf32, #tpu.memory_space<vmem>> -> memref<3200xf32, #tpu.memory_space<vmem>>
      tpu.wait_dma2 semaphore(%run_scoped3A : memref<!tpu.dma_semaphore, #tpu.memory_space<semaphore_mem>>) src(%dma_wait3A_26 : memref<3200xf32, #tpu.memory_space<vmem>>) dst(%dma_wait3A_24 : memref<3200xf32, #tpu.memory_space<hbm>>)
      tpu.yield
    }) : () -> ()
    return
  }
}

module attributes {stable_mosaic.version = 14 : i64} {
  func.func @_mlp_moments_body(%arg0: i32, %arg1: memref<4096x128xf32, #tpu.memory_space<vmem>>, %arg2: memref<128x128xf32, #tpu.memory_space<vmem>>, %arg3: memref<1x128xf32, #tpu.memory_space<vmem>>, %arg4: memref<128x3xf32, #tpu.memory_space<vmem>>, %arg5: memref<3x1xf32, #tpu.memory_space<vmem>>, %arg6: memref<3x4096xf32, #tpu.memory_space<vmem>>, %arg7: memref<1x32x1xi32, #tpu.memory_space<vmem>>, %arg8: memref<1x32x1xi32, #tpu.memory_space<vmem>>, %arg9: memref<1x32x1xi32, #tpu.memory_space<vmem>>, %arg10: memref<1x512xf32, #tpu.memory_space<vmem>>, %arg11: memref<9x512xf32, #tpu.memory_space<vmem>>, %arg12: memref<3x4096xf32, #tpu.memory_space<vmem>>, %arg13: memref<16x512xf32, #tpu.memory_space<vmem>>, %arg14: memref<1x4096xi32, #tpu.memory_space<vmem>>, %arg15: memref<16x512xf32, #tpu.memory_space<vmem>>) attributes {dimension_semantics = [#tpu.dimension_semantics<arbitrary>], iteration_bounds = array<i64: 25>, scalar_prefetch = 0 : i64, scratch_operands = 1 : i64, tpu.core_type = #tpu.core_type<tc>, window_params = [{transform_indices = @transform_0, window_bounds = array<i64: 4096, 128>}, {pipeline_mode = #tpu.pipeline_mode<synchronous>, transform_indices = @transform_1, window_bounds = array<i64: 128, 128>}, {pipeline_mode = #tpu.pipeline_mode<synchronous>, transform_indices = @transform_2, window_bounds = array<i64: 1, 128>}, {pipeline_mode = #tpu.pipeline_mode<synchronous>, transform_indices = @transform_3, window_bounds = array<i64: 128, 3>}, {pipeline_mode = #tpu.pipeline_mode<synchronous>, transform_indices = @transform_4, window_bounds = array<i64: 3, 1>}, {transform_indices = @transform_5, window_bounds = array<i64: 3, 4096>}, {transform_indices = @transform_6, window_bounds = array<i64: 1, 32, 1>}, {transform_indices = @transform_7, window_bounds = array<i64: 1, 32, 1>}, {transform_indices = @transform_8, window_bounds = array<i64: 1, 32, 1>}, {pipeline_mode = #tpu.pipeline_mode<synchronous>, transform_indices = @transform_9, window_bounds = array<i64: 1, 512>}, {pipeline_mode = #tpu.pipeline_mode<synchronous>, transform_indices = @transform_10, window_bounds = array<i64: 9, 512>}, {transform_indices = @transform_11, window_bounds = array<i64: 3, 4096>}, {pipeline_mode = #tpu.pipeline_mode<synchronous>, transform_indices = @transform_12, window_bounds = array<i64: 16, 512>}, {transform_indices = @transform_13, window_bounds = array<i64: 1, 4096>}]} {
    %get3A = arith.constant 0 : index
    %get3A_0 = arith.constant 0 : index
    %get3A_1 = vector.load %arg1[%get3A, %get3A_0] : memref<4096x128xf32, #tpu.memory_space<vmem>>, vector<4096x128xf32>
    %get3A_2 = arith.constant 0 : index
    %get3A_3 = arith.constant 0 : index
    %get3A_4 = vector.load %arg2[%get3A_2, %get3A_3] : memref<128x128xf32, #tpu.memory_space<vmem>>, vector<128x128xf32>
    %dot_general3A = arith.constant dense<0.000000e+00> : vector<4096x128xf32>
    %dot_general3A_5 = tpu.matmul %get3A_1, %get3A_4, %dot_general3A {dimension_numbers = #tpu.dot_dimension_numbers<[1], [0], [0], [1], [0, 0, 1, 1], [], []>, transpose_lhs_hint = false} : vector<4096x128xf32>, vector<128x128xf32>, vector<4096x128xf32> -> vector<4096x128xf32>
    %get3A_6 = arith.constant 0 : index
    %get3A_7 = arith.constant 0 : index
    %get3A_8 = vector.load %arg3[%get3A_6, %get3A_7] : memref<1x128xf32, #tpu.memory_space<vmem>>, vector<1x128xf32>
    %add3A = vector.broadcast %get3A_8 : vector<1x128xf32> to vector<4096x128xf32>
    %add3A_9 = arith.addf %dot_general3A_5, %add3A : vector<4096x128xf32>
    %integer_pow3A = arith.mulf %add3A_9, %add3A_9 : vector<4096x128xf32>
    %integer_pow3A_10 = arith.mulf %add3A_9, %integer_pow3A : vector<4096x128xf32>
    %mul3A = arith.constant 4.471500e-02 : f32
    %mul3A_11 = vector.broadcast %mul3A : f32 to vector<4096x128xf32>
    %mul3A_12 = arith.mulf %mul3A_11, %integer_pow3A_10 : vector<4096x128xf32>
    %add3A_13 = arith.addf %add3A_9, %mul3A_12 : vector<4096x128xf32>
    %mul3A_14 = arith.constant 0.797884583 : f32
    %mul3A_15 = vector.broadcast %mul3A_14 : f32 to vector<4096x128xf32>
    %mul3A_16 = arith.mulf %mul3A_15, %add3A_13 : vector<4096x128xf32>
    %tanh3A = math.tanh %mul3A_16 : vector<4096x128xf32>
    %add3A_17 = arith.constant 1.000000e+00 : f32
    %add3A_18 = vector.broadcast %add3A_17 : f32 to vector<4096x128xf32>
    %add3A_19 = arith.addf %add3A_18, %tanh3A : vector<4096x128xf32>
    %mul3A_20 = arith.constant 5.000000e-01 : f32
    %mul3A_21 = vector.broadcast %mul3A_20 : f32 to vector<4096x128xf32>
    %mul3A_22 = arith.mulf %mul3A_21, %add3A_19 : vector<4096x128xf32>
    %mul3A_23 = arith.mulf %add3A_9, %mul3A_22 : vector<4096x128xf32>
    %get3A_24 = arith.constant 0 : index
    %get3A_25 = arith.constant 0 : index
    %get3A_26 = vector.load %arg4[%get3A_24, %get3A_25] : memref<128x3xf32, #tpu.memory_space<vmem>>, vector<128x3xf32>
    %dot_general3A_27 = arith.constant dense<0.000000e+00> : vector<3x4096xf32>
    %dot_general3A_28 = tpu.matmul %get3A_26, %mul3A_23, %dot_general3A_27 {dimension_numbers = #tpu.dot_dimension_numbers<[0], [1], [1], [0], [0, 1, 1, 0], [], []>, transpose_lhs_hint = false} : vector<128x3xf32>, vector<4096x128xf32>, vector<3x4096xf32> -> vector<3x4096xf32>
    %get3A_29 = arith.constant 0 : index
    %get3A_30 = arith.constant 0 : index
    %get3A_31 = vector.load %arg5[%get3A_29, %get3A_30] : memref<3x1xf32, #tpu.memory_space<vmem>>, vector<3x1xf32>
    %add3A_32 = vector.broadcast %get3A_31 : vector<3x1xf32> to vector<3x4096xf32>
    %add3A_33 = arith.addf %dot_general3A_28, %add3A_32 : vector<3x4096xf32>
    %swap3A = arith.constant 0 : index
    %swap3A_34 = arith.constant 0 : index
    %swap3A_35 = vector.load %arg12[%swap3A, %swap3A_34] : memref<3x4096xf32, #tpu.memory_space<vmem>>, vector<3x4096xf32>
    tpu.vector_store %arg12[%swap3A, %swap3A_34], %add3A_33 {strides = array<i32>} : memref<3x4096xf32, #tpu.memory_space<vmem>>, vector<3x4096xf32>,
    %get3A_36 = arith.constant 0 : index
    %get3A_37 = arith.constant 0 : index
    %get3A_38 = vector.load %arg6[%get3A_36, %get3A_37] : memref<3x4096xf32, #tpu.memory_space<vmem>>, vector<3x4096xf32>
    %slice3A = vector.extract_strided_slice %get3A_38 {offsets = [0, 0], sizes = [1, 4096], strides = [1, 1]} : vector<3x4096xf32> to vector<1x4096xf32>
    %slice3A_39 = vector.extract_strided_slice %get3A_38 {offsets = [1, 0], sizes = [1, 4096], strides = [1, 1]} : vector<3x4096xf32> to vector<1x4096xf32>
    %slice3A_40 = vector.extract_strided_slice %get3A_38 {offsets = [2, 0], sizes = [1, 4096], strides = [1, 1]} : vector<3x4096xf32> to vector<1x4096xf32>
    %slice3A_41 = vector.extract_strided_slice %add3A_33 {offsets = [0, 0], sizes = [1, 4096], strides = [1, 1]} : vector<3x4096xf32> to vector<1x4096xf32>
    %slice3A_42 = vector.extract_strided_slice %add3A_33 {offsets = [1, 0], sizes = [1, 4096], strides = [1, 1]} : vector<3x4096xf32> to vector<1x4096xf32>
    %slice3A_43 = vector.extract_strided_slice %add3A_33 {offsets = [2, 0], sizes = [1, 4096], strides = [1, 1]} : vector<3x4096xf32> to vector<1x4096xf32>
    %mul3A_44 = arith.mulf %slice3A_39, %slice3A_43 : vector<1x4096xf32>
    %mul3A_45 = arith.mulf %slice3A_40, %slice3A_42 : vector<1x4096xf32>
    %sub3A = arith.subf %mul3A_44, %mul3A_45 : vector<1x4096xf32>
    %mul3A_46 = arith.mulf %slice3A_40, %slice3A_41 : vector<1x4096xf32>
    %mul3A_47 = arith.mulf %slice3A, %slice3A_43 : vector<1x4096xf32>
    %sub3A_48 = arith.subf %mul3A_46, %mul3A_47 : vector<1x4096xf32>
    %mul3A_49 = arith.mulf %slice3A, %slice3A_42 : vector<1x4096xf32>
    %mul3A_50 = arith.mulf %slice3A_39, %slice3A_41 : vector<1x4096xf32>
    %sub3A_51 = arith.subf %mul3A_49, %mul3A_50 : vector<1x4096xf32>
    %mul3A_52 = arith.mulf %slice3A, %slice3A : vector<1x4096xf32>
    %mul3A_53 = arith.mulf %slice3A_39, %slice3A_39 : vector<1x4096xf32>
    %add3A_54 = arith.addf %mul3A_52, %mul3A_53 : vector<1x4096xf32>
    %mul3A_55 = arith.mulf %slice3A_40, %slice3A_40 : vector<1x4096xf32>
    %add3A_56 = arith.addf %add3A_54, %mul3A_55 : vector<1x4096xf32>
    %mul3A_57 = arith.mulf %slice3A, %slice3A : vector<1x4096xf32>
    %mul3A_58 = arith.mulf %slice3A_39, %slice3A_39 : vector<1x4096xf32>
    %mul3A_59 = arith.mulf %slice3A_40, %slice3A_40 : vector<1x4096xf32>
    %mul3A_60 = arith.mulf %slice3A, %slice3A_39 : vector<1x4096xf32>
    %mul3A_61 = arith.mulf %slice3A, %slice3A_40 : vector<1x4096xf32>
    %mul3A_62 = arith.mulf %slice3A_39, %slice3A_40 : vector<1x4096xf32>
    %concatenate3A = tpu.concatenate %slice3A_41, %slice3A_42, %slice3A_43, %slice3A, %slice3A_39, %slice3A_40, %sub3A, %sub3A_48, %sub3A_51, %add3A_56, %mul3A_57, %mul3A_58, %mul3A_59, %mul3A_60, %mul3A_61, %mul3A_62 in 0 : vector<1x4096xf32>, vector<1x4096xf32>, vector<1x4096xf32>, vector<1x4096xf32>, vector<1x4096xf32>, vector<1x4096xf32>, vector<1x4096xf32>, vector<1x4096xf32>, vector<1x4096xf32>, vector<1x4096xf32>, vector<1x4096xf32>, vector<1x4096xf32>, vector<1x4096xf32>, vector<1x4096xf32>, vector<1x4096xf32>, vector<1x4096xf32> -> vector<16x4096xf32>
    %iota3A = tpu.iota {dimensions = array<i32: 1>} : vector<1x4096xi32>
    %mul3A_63 = arith.constant 4096 : i32
    %mul3A_64 = arith.muli %arg0, %mul3A_63 : i32
    %add3A_65 = vector.broadcast %mul3A_64 : i32 to vector<1x4096xi32>
    %add3A_66 = arith.addi %iota3A, %add3A_65 : vector<1x4096xi32>
    %get3A_67 = arith.constant 0 : index
    %get3A_68 = arith.constant 0 : index
    %get3A_69 = arith.constant 0 : index
    %get3A_70 = vector.load %arg7[%get3A_67, %get3A_68, %get3A_69] : memref<1x32x1xi32, #tpu.memory_space<vmem>>, vector<1x32x1xi32>
    %get3A_71 = vector.shape_cast %get3A_70 : vector<1x32x1xi32> to vector<32x1xi32>
    %get3A_72 = arith.constant 0 : index
    %get3A_73 = arith.constant 0 : index
    %get3A_74 = arith.constant 0 : index
    %get3A_75 = vector.load %arg8[%get3A_72, %get3A_73, %get3A_74] : memref<1x32x1xi32, #tpu.memory_space<vmem>>, vector<1x32x1xi32>
    %get3A_76 = vector.shape_cast %get3A_75 : vector<1x32x1xi32> to vector<32x1xi32>
    %ge3A = vector.broadcast %add3A_66 : vector<1x4096xi32> to vector<32x4096xi32>
    %ge3A_77 = vector.broadcast %get3A_71 : vector<32x1xi32> to vector<32x4096xi32>
    %ge3A_78 = arith.cmpi sge, %ge3A, %ge3A_77 : vector<32x4096xi32>
    %lt3A = vector.broadcast %add3A_66 : vector<1x4096xi32> to vector<32x4096xi32>
    %lt3A_79 = vector.broadcast %get3A_76 : vector<32x1xi32> to vector<32x4096xi32>
    %lt3A_80 = arith.cmpi slt, %lt3A, %lt3A_79 : vector<32x4096xi32>
    %and3A = arith.andi %ge3A_78, %lt3A_80 : vector<32x4096xi1>
    %jit3A = arith.constant 1.000000e+00 : f32
    %jit3A_81 = arith.constant 0.000000e+00 : f32
    %broadcast_in_dim3A = vector.broadcast %jit3A : f32 to vector<32x4096xf32>
    %broadcast_in_dim3A_82 = vector.broadcast %jit3A_81 : f32 to vector<32x4096xf32>
    %select_n3A = arith.select %and3A, %broadcast_in_dim3A, %broadcast_in_dim3A_82 : vector<32x4096xi1>, vector<32x4096xf32>
    %dot_general3A_83 = arith.constant dense<0.000000e+00> : vector<16x32xf32>
    %dot_general3A_84 = tpu.matmul %concatenate3A, %select_n3A, %dot_general3A_83 {dimension_numbers = #tpu.dot_dimension_numbers<[1], [1], [0], [0], [0, 0, 1, 0], [], []>, transpose_lhs_hint = false} : vector<16x4096xf32>, vector<32x4096xf32>, vector<16x32xf32> -> vector<16x32xf32>
    %get3A_85 = arith.constant 0 : index
    %get3A_86 = arith.constant 0 : index
    %get3A_87 = arith.constant 0 : index
    %get3A_88 = vector.load %arg9[%get3A_85, %get3A_86, %get3A_87] : memref<1x32x1xi32, #tpu.memory_space<vmem>>, vector<1x32x1xi32>
    %get3A_89 = vector.shape_cast %get3A_88 : vector<1x32x1xi32> to vector<32x1xi32>
    %iota3A_90 = tpu.iota {dimensions = array<i32: 1>} : vector<32x512xi32>
    %eq3A = vector.broadcast %get3A_89 : vector<32x1xi32> to vector<32x512xi32>
    %eq3A_91 = arith.cmpi eq, %iota3A_90, %eq3A : vector<32x512xi32>
    %jit3A_92 = arith.constant 1.000000e+00 : f32
    %jit3A_93 = arith.constant 0.000000e+00 : f32
    %broadcast_in_dim3A_94 = vector.broadcast %jit3A_92 : f32 to vector<32x512xf32>
    %broadcast_in_dim3A_95 = vector.broadcast %jit3A_93 : f32 to vector<32x512xf32>
    %select_n3A_96 = arith.select %eq3A_91, %broadcast_in_dim3A_94, %broadcast_in_dim3A_95 : vector<32x512xi1>, vector<32x512xf32>
    %dot_general3A_97 = arith.constant dense<0.000000e+00> : vector<16x512xf32>
    %dot_general3A_98 = tpu.matmul %dot_general3A_84, %select_n3A_96, %dot_general3A_97 {dimension_numbers = #tpu.dot_dimension_numbers<[1], [0], [0], [1], [0, 0, 1, 1], [], []>, transpose_lhs_hint = false} : vector<16x32xf32>, vector<32x512xf32>, vector<16x512xf32> -> vector<16x512xf32>
    %ge3A_99 = vector.broadcast %add3A_66 : vector<1x4096xi32> to vector<32x4096xi32>
    %ge3A_100 = vector.broadcast %get3A_71 : vector<32x1xi32> to vector<32x4096xi32>
    %ge3A_101 = arith.cmpi sge, %ge3A_99, %ge3A_100 : vector<32x4096xi32>
    %lt3A_102 = vector.broadcast %add3A_66 : vector<1x4096xi32> to vector<32x4096xi32>
    %lt3A_103 = vector.broadcast %get3A_76 : vector<32x1xi32> to vector<32x4096xi32>
    %lt3A_104 = arith.cmpi slt, %lt3A_102, %lt3A_103 : vector<32x4096xi32>
    %and3A_105 = arith.andi %ge3A_101, %lt3A_104 : vector<32x4096xi1>
    %jit3A_106 = arith.constant 0 : i32
    %broadcast_in_dim3A_107 = vector.shape_cast %get3A_89 : vector<32x1xi32> to vector<32x1xi32>
    %broadcast_in_dim3A_108 = vector.broadcast %broadcast_in_dim3A_107 : vector<32x1xi32> to vector<32x4096xi32>
    %broadcast_in_dim3A_109 = vector.broadcast %jit3A_106 : i32 to vector<32x4096xi32>
    %select_n3A_110 = arith.select %and3A_105, %broadcast_in_dim3A_108, %broadcast_in_dim3A_109 : vector<32x4096xi1>, vector<32x4096xi32>
    %reduce_sum3A = arith.constant dense<0> : vector<4096xi32>
    %reduce_sum3A_111 = vector.multi_reduction <add>, %select_n3A_110, %reduce_sum3A [0] : vector<32x4096xi32> to vector<4096xi32>
    %broadcast_in_dim3A_112 = vector.shape_cast %reduce_sum3A_111 : vector<4096xi32> to vector<1x4096xi32>
    %swap3A_113 = arith.constant 0 : index
    %swap3A_114 = arith.constant 0 : index
    %swap3A_115 = vector.load %arg14[%swap3A_113, %swap3A_114] : memref<1x4096xi32, #tpu.memory_space<vmem>>, vector<1x4096xi32>
    tpu.vector_store %arg14[%swap3A_113, %swap3A_114], %broadcast_in_dim3A_112 {strides = array<i32>} : memref<1x4096xi32, #tpu.memory_space<vmem>>, vector<1x4096xi32>,
    %eq3A_116 = arith.constant 0 : i32
    %eq3A_117 = arith.cmpi eq, %arg0, %eq3A_116 : i32
    %convert_element_type3A = arith.extui %eq3A_117 : i1 to i32
    %cond3A = arith.constant 0 : i32
    %cond3A_118 = arith.cmpi ne, %convert_element_type3A, %cond3A : i32
    scf.if %cond3A_118 {
      %swap3A_128 = arith.constant 0 : index
      %swap3A_129 = arith.constant 0 : index
      %swap3A_130 = vector.load %arg15[%swap3A_128, %swap3A_129] : memref<16x512xf32, #tpu.memory_space<vmem>>, vector<16x512xf32>
      tpu.vector_store %arg15[%swap3A_128, %swap3A_129], %dot_general3A_98 {strides = array<i32>} : memref<16x512xf32, #tpu.memory_space<vmem>>, vector<16x512xf32>,
    } else {
    }
    %gt3A = arith.constant 0 : i32
    %gt3A_119 = arith.cmpi sgt, %arg0, %gt3A : i32
    %convert_element_type3A_120 = arith.extui %gt3A_119 : i1 to i32
    %cond3A_121 = arith.constant 0 : i32
    %cond3A_122 = arith.cmpi ne, %convert_element_type3A_120, %cond3A_121 : i32
    scf.if %cond3A_122 {
      %get3A_128 = arith.constant 0 : index
      %get3A_129 = arith.constant 0 : index
      %get3A_130 = vector.load %arg15[%get3A_128, %get3A_129] : memref<16x512xf32, #tpu.memory_space<vmem>>, vector<16x512xf32>
      %add3A_131 = arith.addf %get3A_130, %dot_general3A_98 : vector<16x512xf32>
      %swap3A_132 = arith.constant 0 : index
      %swap3A_133 = arith.constant 0 : index
      %swap3A_134 = vector.load %arg15[%swap3A_132, %swap3A_133] : memref<16x512xf32, #tpu.memory_space<vmem>>, vector<16x512xf32>
      tpu.vector_store %arg15[%swap3A_132, %swap3A_133], %add3A_131 {strides = array<i32>} : memref<16x512xf32, #tpu.memory_space<vmem>>, vector<16x512xf32>,
    } else {
    }
    %eq3A_123 = arith.constant 24 : i32
    %eq3A_124 = arith.cmpi eq, %arg0, %eq3A_123 : i32
    %convert_element_type3A_125 = arith.extui %eq3A_124 : i1 to i32
    %cond3A_126 = arith.constant 0 : i32
    %cond3A_127 = arith.cmpi ne, %convert_element_type3A_125, %cond3A_126 : i32
    scf.if %cond3A_127 {
      %get3A_128 = arith.constant 0 : index
      %get3A_129 = arith.constant 0 : index
      %get3A_130 = vector.load %arg15[%get3A_128, %get3A_129] : memref<16x512xf32, #tpu.memory_space<vmem>>, vector<16x512xf32>
      %get3A_131 = arith.constant 0 : index
      %get3A_132 = arith.constant 0 : index
      %get3A_133 = vector.load %arg10[%get3A_131, %get3A_132] : memref<1x512xf32, #tpu.memory_space<vmem>>, vector<1x512xf32>
      %get3A_134 = arith.constant 0 : index
      %get3A_135 = arith.constant 0 : index
      %get3A_136 = vector.load %arg11[%get3A_134, %get3A_135] : memref<9x512xf32, #tpu.memory_space<vmem>>, vector<9x512xf32>
      %div3A = arith.constant 1.000000e+00 : f32
      %div3A_137 = vector.broadcast %div3A : f32 to vector<1x512xf32>
      %div3A_138 = arith.divf %div3A_137, %get3A_133 : vector<1x512xf32>
      %slice3A_139 = vector.extract_strided_slice %get3A_130 {offsets = [0, 0], sizes = [1, 512], strides = [1, 1]} : vector<16x512xf32> to vector<1x512xf32>
      %slice3A_140 = vector.extract_strided_slice %get3A_130 {offsets = [1, 0], sizes = [1, 512], strides = [1, 1]} : vector<16x512xf32> to vector<1x512xf32>
      %slice3A_141 = vector.extract_strided_slice %get3A_130 {offsets = [2, 0], sizes = [1, 512], strides = [1, 1]} : vector<16x512xf32> to vector<1x512xf32>
      %slice3A_142 = vector.extract_strided_slice %get3A_130 {offsets = [3, 0], sizes = [1, 512], strides = [1, 1]} : vector<16x512xf32> to vector<1x512xf32>
      %slice3A_143 = vector.extract_strided_slice %get3A_130 {offsets = [4, 0], sizes = [1, 512], strides = [1, 1]} : vector<16x512xf32> to vector<1x512xf32>
      %slice3A_144 = vector.extract_strided_slice %get3A_130 {offsets = [5, 0], sizes = [1, 512], strides = [1, 1]} : vector<16x512xf32> to vector<1x512xf32>
      %slice3A_145 = vector.extract_strided_slice %get3A_130 {offsets = [6, 0], sizes = [1, 512], strides = [1, 1]} : vector<16x512xf32> to vector<1x512xf32>
      %slice3A_146 = vector.extract_strided_slice %get3A_130 {offsets = [7, 0], sizes = [1, 512], strides = [1, 1]} : vector<16x512xf32> to vector<1x512xf32>
      %slice3A_147 = vector.extract_strided_slice %get3A_130 {offsets = [8, 0], sizes = [1, 512], strides = [1, 1]} : vector<16x512xf32> to vector<1x512xf32>
      %slice3A_148 = vector.extract_strided_slice %get3A_130 {offsets = [9, 0], sizes = [1, 512], strides = [1, 1]} : vector<16x512xf32> to vector<1x512xf32>
      %slice3A_149 = vector.extract_strided_slice %get3A_130 {offsets = [10, 0], sizes = [1, 512], strides = [1, 1]} : vector<16x512xf32> to vector<1x512xf32>
      %slice3A_150 = vector.extract_strided_slice %get3A_130 {offsets = [11, 0], sizes = [1, 512], strides = [1, 1]} : vector<16x512xf32> to vector<1x512xf32>
      %slice3A_151 = vector.extract_strided_slice %get3A_130 {offsets = [12, 0], sizes = [1, 512], strides = [1, 1]} : vector<16x512xf32> to vector<1x512xf32>
      %slice3A_152 = vector.extract_strided_slice %get3A_130 {offsets = [13, 0], sizes = [1, 512], strides = [1, 1]} : vector<16x512xf32> to vector<1x512xf32>
      %slice3A_153 = vector.extract_strided_slice %get3A_130 {offsets = [14, 0], sizes = [1, 512], strides = [1, 1]} : vector<16x512xf32> to vector<1x512xf32>
      %slice3A_154 = vector.extract_strided_slice %get3A_130 {offsets = [15, 0], sizes = [1, 512], strides = [1, 1]} : vector<16x512xf32> to vector<1x512xf32>
      %mul3A_155 = arith.mulf %slice3A_139, %div3A_138 : vector<1x512xf32>
      %mul3A_156 = arith.mulf %slice3A_140, %div3A_138 : vector<1x512xf32>
      %mul3A_157 = arith.mulf %slice3A_141, %div3A_138 : vector<1x512xf32>
      %mul3A_158 = arith.mulf %slice3A_142, %div3A_138 : vector<1x512xf32>
      %mul3A_159 = arith.mulf %slice3A_143, %div3A_138 : vector<1x512xf32>
      %mul3A_160 = arith.mulf %slice3A_144, %div3A_138 : vector<1x512xf32>
      %mul3A_161 = arith.mulf %slice3A_143, %slice3A_141 : vector<1x512xf32>
      %mul3A_162 = arith.mulf %slice3A_144, %slice3A_140 : vector<1x512xf32>
      %sub3A_163 = arith.subf %mul3A_161, %mul3A_162 : vector<1x512xf32>
      %mul3A_164 = arith.mulf %slice3A_144, %slice3A_139 : vector<1x512xf32>
      %mul3A_165 = arith.mulf %slice3A_142, %slice3A_141 : vector<1x512xf32>
      %sub3A_166 = arith.subf %mul3A_164, %mul3A_165 : vector<1x512xf32>
      %mul3A_167 = arith.mulf %slice3A_142, %slice3A_140 : vector<1x512xf32>
      %mul3A_168 = arith.mulf %slice3A_143, %slice3A_139 : vector<1x512xf32>
      %sub3A_169 = arith.subf %mul3A_167, %mul3A_168 : vector<1x512xf32>
      %mul3A_170 = arith.mulf %sub3A_163, %div3A_138 : vector<1x512xf32>
      %sub3A_171 = arith.subf %slice3A_145, %mul3A_170 : vector<1x512xf32>
      %mul3A_172 = arith.mulf %sub3A_166, %div3A_138 : vector<1x512xf32>
      %sub3A_173 = arith.subf %slice3A_146, %mul3A_172 : vector<1x512xf32>
      %mul3A_174 = arith.mulf %sub3A_169, %div3A_138 : vector<1x512xf32>
      %sub3A_175 = arith.subf %slice3A_147, %mul3A_174 : vector<1x512xf32>
      %mul3A_176 = arith.mulf %slice3A_142, %slice3A_142 : vector<1x512xf32>
      %mul3A_177 = arith.mulf %slice3A_143, %slice3A_143 : vector<1x512xf32>
      %add3A_178 = arith.addf %mul3A_176, %mul3A_177 : vector<1x512xf32>
      %mul3A_179 = arith.mulf %slice3A_144, %slice3A_144 : vector<1x512xf32>
      %add3A_180 = arith.addf %add3A_178, %mul3A_179 : vector<1x512xf32>
      %mul3A_181 = arith.mulf %add3A_180, %div3A_138 : vector<1x512xf32>
      %sub3A_182 = arith.subf %slice3A_148, %mul3A_181 : vector<1x512xf32>
      %mul3A_183 = arith.mulf %slice3A_142, %slice3A_142 : vector<1x512xf32>
      %mul3A_184 = arith.mulf %mul3A_183, %div3A_138 : vector<1x512xf32>
      %sub3A_185 = arith.subf %slice3A_149, %mul3A_184 : vector<1x512xf32>
      %sub3A_186 = arith.subf %sub3A_185, %sub3A_182 : vector<1x512xf32>
      %mul3A_187 = arith.mulf %slice3A_143, %slice3A_143 : vector<1x512xf32>
      %mul3A_188 = arith.mulf %mul3A_187, %div3A_138 : vector<1x512xf32>
      %sub3A_189 = arith.subf %slice3A_150, %mul3A_188 : vector<1x512xf32>
      %sub3A_190 = arith.subf %sub3A_189, %sub3A_182 : vector<1x512xf32>
      %mul3A_191 = arith.mulf %slice3A_144, %slice3A_144 : vector<1x512xf32>
      %mul3A_192 = arith.mulf %mul3A_191, %div3A_138 : vector<1x512xf32>
      %sub3A_193 = arith.subf %slice3A_151, %mul3A_192 : vector<1x512xf32>
      %sub3A_194 = arith.subf %sub3A_193, %sub3A_182 : vector<1x512xf32>
      %mul3A_195 = arith.mulf %slice3A_142, %slice3A_143 : vector<1x512xf32>
      %mul3A_196 = arith.mulf %mul3A_195, %div3A_138 : vector<1x512xf32>
      %sub3A_197 = arith.subf %slice3A_152, %mul3A_196 : vector<1x512xf32>
      %mul3A_198 = arith.mulf %slice3A_142, %slice3A_144 : vector<1x512xf32>
      %mul3A_199 = arith.mulf %mul3A_198, %div3A_138 : vector<1x512xf32>
      %sub3A_200 = arith.subf %slice3A_153, %mul3A_199 : vector<1x512xf32>
      %mul3A_201 = arith.mulf %slice3A_143, %slice3A_144 : vector<1x512xf32>
      %mul3A_202 = arith.mulf %mul3A_201, %div3A_138 : vector<1x512xf32>
      %sub3A_203 = arith.subf %slice3A_154, %mul3A_202 : vector<1x512xf32>
      %mul3A_204 = arith.mulf %sub3A_190, %sub3A_194 : vector<1x512xf32>
      %mul3A_205 = arith.mulf %sub3A_203, %sub3A_203 : vector<1x512xf32>
      %sub3A_206 = arith.subf %mul3A_204, %mul3A_205 : vector<1x512xf32>
      %mul3A_207 = arith.mulf %sub3A_186, %sub3A_206 : vector<1x512xf32>
      %mul3A_208 = arith.mulf %sub3A_197, %sub3A_194 : vector<1x512xf32>
      %mul3A_209 = arith.mulf %sub3A_203, %sub3A_200 : vector<1x512xf32>
      %sub3A_210 = arith.subf %mul3A_208, %mul3A_209 : vector<1x512xf32>
      %mul3A_211 = arith.mulf %sub3A_197, %sub3A_210 : vector<1x512xf32>
      %sub3A_212 = arith.subf %mul3A_207, %mul3A_211 : vector<1x512xf32>
      %mul3A_213 = arith.mulf %sub3A_197, %sub3A_203 : vector<1x512xf32>
      %mul3A_214 = arith.mulf %sub3A_190, %sub3A_200 : vector<1x512xf32>
      %sub3A_215 = arith.subf %mul3A_213, %mul3A_214 : vector<1x512xf32>
      %mul3A_216 = arith.mulf %sub3A_200, %sub3A_215 : vector<1x512xf32>
      %add3A_217 = arith.addf %sub3A_212, %mul3A_216 : vector<1x512xf32>
      %div3A_218 = arith.constant 1.000000e+00 : f32
      %div3A_219 = vector.broadcast %div3A_218 : f32 to vector<1x512xf32>
      %div3A_220 = arith.divf %div3A_219, %add3A_217 : vector<1x512xf32>
      %mul3A_221 = arith.mulf %sub3A_190, %sub3A_194 : vector<1x512xf32>
      %mul3A_222 = arith.mulf %sub3A_203, %sub3A_203 : vector<1x512xf32>
      %sub3A_223 = arith.subf %mul3A_221, %mul3A_222 : vector<1x512xf32>
      %mul3A_224 = arith.mulf %sub3A_200, %sub3A_203 : vector<1x512xf32>
      %mul3A_225 = arith.mulf %sub3A_197, %sub3A_194 : vector<1x512xf32>
      %sub3A_226 = arith.subf %mul3A_224, %mul3A_225 : vector<1x512xf32>
      %mul3A_227 = arith.mulf %sub3A_197, %sub3A_203 : vector<1x512xf32>
      %mul3A_228 = arith.mulf %sub3A_200, %sub3A_190 : vector<1x512xf32>
      %sub3A_229 = arith.subf %mul3A_227, %mul3A_228 : vector<1x512xf32>
      %mul3A_230 = arith.mulf %sub3A_186, %sub3A_194 : vector<1x512xf32>
      %mul3A_231 = arith.mulf %sub3A_200, %sub3A_200 : vector<1x512xf32>
      %sub3A_232 = arith.subf %mul3A_230, %mul3A_231 : vector<1x512xf32>
      %mul3A_233 = arith.mulf %sub3A_197, %sub3A_200 : vector<1x512xf32>
      %mul3A_234 = arith.mulf %sub3A_186, %sub3A_203 : vector<1x512xf32>
      %sub3A_235 = arith.subf %mul3A_233, %mul3A_234 : vector<1x512xf32>
      %mul3A_236 = arith.mulf %sub3A_186, %sub3A_190 : vector<1x512xf32>
      %mul3A_237 = arith.mulf %sub3A_197, %sub3A_197 : vector<1x512xf32>
      %sub3A_238 = arith.subf %mul3A_236, %mul3A_237 : vector<1x512xf32>
      %mul3A_239 = arith.mulf %sub3A_223, %sub3A_171 : vector<1x512xf32>
      %mul3A_240 = arith.mulf %sub3A_226, %sub3A_173 : vector<1x512xf32>
      %add3A_241 = arith.addf %mul3A_239, %mul3A_240 : vector<1x512xf32>
      %mul3A_242 = arith.mulf %sub3A_229, %sub3A_175 : vector<1x512xf32>
      %add3A_243 = arith.addf %add3A_241, %mul3A_242 : vector<1x512xf32>
      %neg3A = arith.constant 0.000000e+00 : f32
      %neg3A_244 = vector.broadcast %neg3A : f32 to vector<1x512xf32>
      %neg3A_245 = arith.subf %neg3A_244, %add3A_243 : vector<1x512xf32>
      %mul3A_246 = arith.mulf %neg3A_245, %div3A_220 : vector<1x512xf32>
      %mul3A_247 = arith.mulf %sub3A_226, %sub3A_171 : vector<1x512xf32>
      %mul3A_248 = arith.mulf %sub3A_232, %sub3A_173 : vector<1x512xf32>
      %add3A_249 = arith.addf %mul3A_247, %mul3A_248 : vector<1x512xf32>
      %mul3A_250 = arith.mulf %sub3A_235, %sub3A_175 : vector<1x512xf32>
      %add3A_251 = arith.addf %add3A_249, %mul3A_250 : vector<1x512xf32>
      %neg3A_252 = arith.constant 0.000000e+00 : f32
      %neg3A_253 = vector.broadcast %neg3A_252 : f32 to vector<1x512xf32>
      %neg3A_254 = arith.subf %neg3A_253, %add3A_251 : vector<1x512xf32>
      %mul3A_255 = arith.mulf %neg3A_254, %div3A_220 : vector<1x512xf32>
      %mul3A_256 = arith.mulf %sub3A_229, %sub3A_171 : vector<1x512xf32>
      %mul3A_257 = arith.mulf %sub3A_235, %sub3A_173 : vector<1x512xf32>
      %add3A_258 = arith.addf %mul3A_256, %mul3A_257 : vector<1x512xf32>
      %mul3A_259 = arith.mulf %sub3A_238, %sub3A_175 : vector<1x512xf32>
      %add3A_260 = arith.addf %add3A_258, %mul3A_259 : vector<1x512xf32>
      %neg3A_261 = arith.constant 0.000000e+00 : f32
      %neg3A_262 = vector.broadcast %neg3A_261 : f32 to vector<1x512xf32>
      %neg3A_263 = arith.subf %neg3A_262, %add3A_260 : vector<1x512xf32>
      %mul3A_264 = arith.mulf %neg3A_263, %div3A_220 : vector<1x512xf32>
      %mul3A_265 = arith.mulf %sub3A_186, %mul3A_246 : vector<1x512xf32>
      %add3A_266 = arith.addf %sub3A_171, %mul3A_265 : vector<1x512xf32>
      %mul3A_267 = arith.mulf %sub3A_197, %mul3A_255 : vector<1x512xf32>
      %add3A_268 = arith.addf %add3A_266, %mul3A_267 : vector<1x512xf32>
      %mul3A_269 = arith.mulf %sub3A_200, %mul3A_264 : vector<1x512xf32>
      %add3A_270 = arith.addf %add3A_268, %mul3A_269 : vector<1x512xf32>
      %mul3A_271 = arith.mulf %sub3A_197, %mul3A_246 : vector<1x512xf32>
      %add3A_272 = arith.addf %sub3A_173, %mul3A_271 : vector<1x512xf32>
      %mul3A_273 = arith.mulf %sub3A_190, %mul3A_255 : vector<1x512xf32>
      %add3A_274 = arith.addf %add3A_272, %mul3A_273 : vector<1x512xf32>
      %mul3A_275 = arith.mulf %sub3A_203, %mul3A_264 : vector<1x512xf32>
      %add3A_276 = arith.addf %add3A_274, %mul3A_275 : vector<1x512xf32>
      %mul3A_277 = arith.mulf %sub3A_200, %mul3A_246 : vector<1x512xf32>
      %add3A_278 = arith.addf %sub3A_175, %mul3A_277 : vector<1x512xf32>
      %mul3A_279 = arith.mulf %sub3A_203, %mul3A_255 : vector<1x512xf32>
      %add3A_280 = arith.addf %add3A_278, %mul3A_279 : vector<1x512xf32>
      %mul3A_281 = arith.mulf %sub3A_194, %mul3A_264 : vector<1x512xf32>
      %add3A_282 = arith.addf %add3A_280, %mul3A_281 : vector<1x512xf32>
      %mul3A_283 = arith.mulf %sub3A_223, %add3A_270 : vector<1x512xf32>
      %mul3A_284 = arith.mulf %sub3A_226, %add3A_276 : vector<1x512xf32>
      %add3A_285 = arith.addf %mul3A_283, %mul3A_284 : vector<1x512xf32>
      %mul3A_286 = arith.mulf %sub3A_229, %add3A_282 : vector<1x512xf32>
      %add3A_287 = arith.addf %add3A_285, %mul3A_286 : vector<1x512xf32>
      %mul3A_288 = arith.mulf %add3A_287, %div3A_220 : vector<1x512xf32>
      %sub3A_289 = arith.subf %mul3A_246, %mul3A_288 : vector<1x512xf32>
      %mul3A_290 = arith.mulf %sub3A_226, %add3A_270 : vector<1x512xf32>
      %mul3A_291 = arith.mulf %sub3A_232, %add3A_276 : vector<1x512xf32>
      %add3A_292 = arith.addf %mul3A_290, %mul3A_291 : vector<1x512xf32>
      %mul3A_293 = arith.mulf %sub3A_235, %add3A_282 : vector<1x512xf32>
      %add3A_294 = arith.addf %add3A_292, %mul3A_293 : vector<1x512xf32>
      %mul3A_295 = arith.mulf %add3A_294, %div3A_220 : vector<1x512xf32>
      %sub3A_296 = arith.subf %mul3A_255, %mul3A_295 : vector<1x512xf32>
      %mul3A_297 = arith.mulf %sub3A_229, %add3A_270 : vector<1x512xf32>
      %mul3A_298 = arith.mulf %sub3A_235, %add3A_276 : vector<1x512xf32>
      %add3A_299 = arith.addf %mul3A_297, %mul3A_298 : vector<1x512xf32>
      %mul3A_300 = arith.mulf %sub3A_238, %add3A_282 : vector<1x512xf32>
      %add3A_301 = arith.addf %add3A_299, %mul3A_300 : vector<1x512xf32>
      %mul3A_302 = arith.mulf %add3A_301, %div3A_220 : vector<1x512xf32>
      %sub3A_303 = arith.subf %mul3A_264, %mul3A_302 : vector<1x512xf32>
      %eq3A_304 = arith.constant 0.000000e+00 : f32
      %eq3A_305 = vector.broadcast %eq3A_304 : f32 to vector<9x512xf32>
      %eq3A_306 = arith.cmpf oeq, %get3A_136, %eq3A_305 : vector<9x512xf32>
      %reduce_and3A = arith.constant 1.000000e+00 : f32
      %reduce_and3A_307 = arith.constant 0.000000e+00 : f32
      %reduce_and3A_308 = vector.broadcast %reduce_and3A : f32 to vector<9x512xf32>
      %reduce_and3A_309 = vector.broadcast %reduce_and3A_307 : f32 to vector<9x512xf32>
      %reduce_and3A_310 = arith.select %eq3A_306, %reduce_and3A_308, %reduce_and3A_309 : vector<9x512xi1>, vector<9x512xf32>
      %reduce_and3A_311 = arith.constant dense<0x7F800000> : vector<512xf32>
      %reduce_and3A_312 = vector.multi_reduction <minimumf>, %reduce_and3A_310, %reduce_and3A_311 [0] : vector<9x512xf32> to vector<512xf32>
      %reduce_and3A_313 = arith.constant 0.000000e+00 : f32
      %reduce_and3A_314 = vector.broadcast %reduce_and3A_313 : f32 to vector<512xf32>
      %reduce_and3A_315 = arith.cmpf ogt, %reduce_and3A_312, %reduce_and3A_314 : vector<512xf32>
      %broadcast_in_dim3A_316 = vector.shape_cast %reduce_and3A_315 : vector<512xi1> to vector<1x512xi1>
      %broadcast_in_dim3A_317 = arith.constant 0.000000e+00 : f32
      %broadcast_in_dim3A_318 = vector.broadcast %broadcast_in_dim3A_317 : f32 to vector<1x512xf32>
      %select_n3A_319 = arith.select %broadcast_in_dim3A_316, %sub3A_289, %broadcast_in_dim3A_318 : vector<1x512xi1>, vector<1x512xf32>
      %select_n3A_320 = arith.select %broadcast_in_dim3A_316, %sub3A_296, %broadcast_in_dim3A_318 : vector<1x512xi1>, vector<1x512xf32>
      %select_n3A_321 = arith.select %broadcast_in_dim3A_316, %sub3A_303, %broadcast_in_dim3A_318 : vector<1x512xi1>, vector<1x512xf32>
      %concatenate3A_322 = tpu.concatenate %mul3A_155, %mul3A_156, %mul3A_157, %mul3A_158, %mul3A_159, %mul3A_160, %select_n3A_319, %select_n3A_320, %select_n3A_321, %broadcast_in_dim3A_318, %broadcast_in_dim3A_318, %broadcast_in_dim3A_318, %broadcast_in_dim3A_318, %broadcast_in_dim3A_318, %broadcast_in_dim3A_318, %broadcast_in_dim3A_318 in 0 : vector<1x512xf32>, vector<1x512xf32>, vector<1x512xf32>, vector<1x512xf32>, vector<1x512xf32>, vector<1x512xf32>, vector<1x512xf32>, vector<1x512xf32>, vector<1x512xf32>, vector<1x512xf32>, vector<1x512xf32>, vector<1x512xf32>, vector<1x512xf32>, vector<1x512xf32>, vector<1x512xf32>, vector<1x512xf32> -> vector<16x512xf32>
      %swap3A_323 = arith.constant 0 : index
      %swap3A_324 = arith.constant 0 : index
      %swap3A_325 = vector.load %arg13[%swap3A_323, %swap3A_324] : memref<16x512xf32, #tpu.memory_space<vmem>>, vector<16x512xf32>
      tpu.vector_store %arg13[%swap3A_323, %swap3A_324], %concatenate3A_322 {strides = array<i32>} : memref<16x512xf32, #tpu.memory_space<vmem>>, vector<16x512xf32>,
    } else {
    }
    return
  }
  func.func @transform_0(%arg0: i32) -> (i32, i32) {
    %c0_i32 = arith.constant 0 : i32
    %c0_i32_0 = arith.constant 0 : i32
    return %arg0, %c0_i32 : i32, i32
  }
  func.func @transform_1(%arg0: i32) -> (i32, i32) {
    %c0_i32 = arith.constant 0 : i32
    %c0_i32_0 = arith.constant 0 : i32
    %c0_i32_1 = arith.constant 0 : i32
    return %c0_i32, %c0_i32_0 : i32, i32
  }
  func.func @transform_2(%arg0: i32) -> (i32, i32) {
    %c0_i32 = arith.constant 0 : i32
    %c0_i32_0 = arith.constant 0 : i32
    %c0_i32_1 = arith.constant 0 : i32
    return %c0_i32, %c0_i32_0 : i32, i32
  }
  func.func @transform_3(%arg0: i32) -> (i32, i32) {
    %c0_i32 = arith.constant 0 : i32
    %c0_i32_0 = arith.constant 0 : i32
    %c0_i32_1 = arith.constant 0 : i32
    return %c0_i32, %c0_i32_0 : i32, i32
  }
  func.func @transform_4(%arg0: i32) -> (i32, i32) {
    %c0_i32 = arith.constant 0 : i32
    %c0_i32_0 = arith.constant 0 : i32
    %c0_i32_1 = arith.constant 0 : i32
    return %c0_i32, %c0_i32_0 : i32, i32
  }
  func.func @transform_5(%arg0: i32) -> (i32, i32) {
    %c0_i32 = arith.constant 0 : i32
    %c0_i32_0 = arith.constant 0 : i32
    return %c0_i32, %arg0 : i32, i32
  }
  func.func @transform_6(%arg0: i32) -> (i32, i32, i32) {
    %c0_i32 = arith.constant 0 : i32
    %c0_i32_0 = arith.constant 0 : i32
    %c0_i32_1 = arith.constant 0 : i32
    return %arg0, %c0_i32, %c0_i32_0 : i32, i32, i32
  }
  func.func @transform_7(%arg0: i32) -> (i32, i32, i32) {
    %c0_i32 = arith.constant 0 : i32
    %c0_i32_0 = arith.constant 0 : i32
    %c0_i32_1 = arith.constant 0 : i32
    return %arg0, %c0_i32, %c0_i32_0 : i32, i32, i32
  }
  func.func @transform_8(%arg0: i32) -> (i32, i32, i32) {
    %c0_i32 = arith.constant 0 : i32
    %c0_i32_0 = arith.constant 0 : i32
    %c0_i32_1 = arith.constant 0 : i32
    return %arg0, %c0_i32, %c0_i32_0 : i32, i32, i32
  }
  func.func @transform_9(%arg0: i32) -> (i32, i32) {
    %c0_i32 = arith.constant 0 : i32
    %c0_i32_0 = arith.constant 0 : i32
    %c0_i32_1 = arith.constant 0 : i32
    return %c0_i32, %c0_i32_0 : i32, i32
  }
  func.func @transform_10(%arg0: i32) -> (i32, i32) {
    %c0_i32 = arith.constant 0 : i32
    %c0_i32_0 = arith.constant 0 : i32
    %c0_i32_1 = arith.constant 0 : i32
    return %c0_i32, %c0_i32_0 : i32, i32
  }
  func.func @transform_11(%arg0: i32) -> (i32, i32) {
    %c0_i32 = arith.constant 0 : i32
    %c0_i32_0 = arith.constant 0 : i32
    return %c0_i32, %arg0 : i32, i32
  }
  func.func @transform_12(%arg0: i32) -> (i32, i32) {
    %c0_i32 = arith.constant 0 : i32
    %c0_i32_0 = arith.constant 0 : i32
    %c0_i32_1 = arith.constant 0 : i32
    return %c0_i32, %c0_i32_0 : i32, i32
  }
  func.func @transform_13(%arg0: i32) -> (i32, i32) {
    %c0_i32 = arith.constant 0 : i32
    %c0_i32_0 = arith.constant 0 : i32
    return %c0_i32, %arg0 : i32, i32
  }
}

</mosaic_0001>

<sc_bundles>
// kernel: kernel.4.cloned.1.call-start
scs
__scs_entry_jumppad:
0x0: {  	(pc) =	sbr.rel $0x88, $3  }
0x1: {  	(tag) =	ssettag $0x0;
	lr =	simm.s32 $0x1  }
0x2: {  	[smem:$0x3F99] =	sst lr;
	_ =	strace $0xD0000000  }
0x3: {  	_ = 	snop  }
0x4: {  	_ = 	snop  }
0x5: {  	_ = 	snop  }
0x6: {  	_ = 	snop  }
0x7: {  	_ = 	snop  }
__scs_overlays_trampoline_lowered:
0x8: {  	[smem:$0x3FA8] =	sst s0  }
0x9: {  	[smem:$0x3FA9] =	sst s1  }
0xa: {  	[smem:$0x3FAA] =	sst s2  }
0xb: {  	[smem:$0x3FAB] =	sst s3  }
0xc: {  	[smem:$0x3FAC] =	sst s4  }
0xd: {  	[smem:$0x3FAD] =	sst s5  }
0xe: {  	[smem:$0x3FAE] =	sst s6  }
0xf: {  	[smem:$0x3FAF] =	sst s7  }
0x10: {  	[smem:$0x3FB0] =	sst s8  }
0x11: {  	[smem:$0x3FB1] =	sst s9;
	s0 =	simm.s32 @!p0 $0x0  }
0x12: {  	s1 =	sld [smem:$0x3F97];
	s0 =	simm.s32 @p0 $0x1  }
0x13: {  	[smem:$0x3FB2] =	sst s0;
	s0 =	simm.s32 @!p1 $0x0  }
0x14: {  	s2 =	sld [smem:$0x3F96];
	s0 =	simm.s32 @p1 $0x1  }
0x15: {  	[smem:$0x3FB3] =	sst s0;
	s0 =	simm.s32 @!p2 $0x0  }
0x16: {  	s3 =	sld [smem:$0x3FDB];
	s0 =	simm.s32 @p2 $0x1  }
0x17: {  	s4 =	simm.s32 $0x1BF5;
	[smem:$0x3FB5] =	sst s0  }
0x18: {  	s0 =	sld [smem:$0x3F98];
	_ =	swait.ge [sflag:s4], $0x0  }
0x19: {  	s7 =	sld [smem:$0x3F99]  }
0x1a: {  	s8 =	sadd.s32 $0xFFFFE003, lr  }
0x1b: {  	s9 =	sadd.s32 $0xFFFFFEF7, lr;
	s5 =	simm.s32 $0xFFFFFFFF;
	p2 =	slt.u32 s8, $0xFFFFF086  }
0x1c: {  	p1 =	slt.u32 s9, $0xF7A;
	s5 =	simm.s32 @!p2 $0x0  }
0x1d: {  	s5 =	simm.s32 @p1 $0x1;
	p0 =	seq.s32 s7, s2  }
0x1e: {  	s7 =	smul.u32 @!p0 $0xF7A, s2;
	p2 =	seq.s32 @!p0 s5, $0x0  }
0x1f: {  	s9 =	smul.u32 $0xF7A, s1;
	s8 =	simm.s32 @!p0 $0x1BF5;
	p2 =	por !p2, p0  }
0x20: {  	[sflag:s8] =	ssyncset.s32 @!p0 $0xFFFFF086;
	s6 =	sadd.s32 @!p0 s3, s7;
	s7 =	simm.s32 @!p0 $0x108  }
0x21: {  	s3 =	sadd.s32 s3, s9;
	s6 =	sadd.s32 @!p0 $0x88, s6;
	s7 =	simm.s32 @p2 $0x1082  }
0x22: {  	[simem:s7], [sflag:s8] =	dma.local @!p0 [hbm:s6], $0xF7A  }
0x23: {  	s9 =	sor.u32 $0xD0000000, s2;
	s6 =	simm.s32 $0x108;
	_ =	swait.ge @!p0 [sflag:s8], $0x0  }
0x24: {  	s3 =	sadd.s32 $0x88, s3;
	s6 =	simm.s32 @!p1 $0x1082;
	[sflag:s4] =	ssyncset.s32 $0xFFFFF086  }
0x25: {  	[simem:s6], [sflag:s4] =	dma.local [hbm:s3], $0xF7A  }
0x26: {  	[smem:$0x3F99] =	sst s1;
	(tag) =	ssettag s2;
	_ =	strace s9  }
0x27: {  	s1 =	sld [smem:$0x3FA9]  }
0x28: {  	s2 =	sld [smem:$0x3FAA]  }
0x29: {  	s4 =	sld [smem:$0x3FAC]  }
0x2a: {  	p0 =	seq.s32 s5, $0x0;
	s5 =	sld [smem:$0x3FAD]  }
0x2b: {  	s6 =	sld [smem:$0x3FAE]  }
0x2c: {  	s7 =	sld [smem:$0x3FAF]  }
0x2d: {  	s3 =	simm.s32 $0x108;
	s8 =	sld [smem:$0x3FB0]  }
0x2e: {  	s3 =	simm.s32 @!p0 $0x1082;
	s9 =	sld [smem:$0x3FB1]  }
0x2f: {  	lr =	sadd.s32 s0, s3;
	s0 =	sld [smem:$0x3FA8]  }
0x30: {  	s3 =	sld [smem:$0x3FAB]  }
0x31: {  	[smem:$0x3FB4] =	sst s10  }
0x32: {  	s10 =	sld [smem:$0x3FB2];
	_ =	sdelay $0x3  }
0x33: {  	p0 =	seq.s32 s10, $0x1;
	s10 =	sld [smem:$0x3FB4];
	_ =	sdelay $0x3  }
0x34: {  	[smem:$0x3FB4] =	sst s10  }
0x35: {  	s10 =	sld [smem:$0x3FB3];
	_ =	sdelay $0x3  }
0x36: {  	p1 =	seq.s32 s10, $0x1;
	s10 =	sld [smem:$0x3FB4];
	_ =	sdelay $0x3  }
0x37: {  	[smem:$0x3FB4] =	sst s10  }
0x38: {  	s10 =	sld [smem:$0x3FB5]  }
0x39: {  	_ = 	snop;
	(pc) =	sbr.ind lr, $3  }
0x3a: {  	_ = 	snop  }
0x3b: {  	_ = 	snop  }
0x3c: {  	p2 =	seq.s32 s10, $0x1;
	s10 =	sld [smem:$0x3FB4]  }
0x3d: {  	_ =	shalt  }
0x3e: {  	_ =	shalt  }
0x3f: {  	_ =	shalt  }
0x40: {  	_ =	shalt  }
0x41: {  	_ =	shalt  }
0x42: {  	_ =	shalt  }
0x43: {  	_ =	shalt  }
0x44: {  	_ =	shalt  }
0x45: {  	_ =	shalt  }
0x46: {  	_ =	shalt  }
0x47: {  	_ =	shalt  }
0x48: {  	_ =	shalt  }
0x49: {  	_ =	shalt  }
0x4a: {  	_ =	shalt  }
0x4b: {  	_ =	shalt  }
0x4c: {  	_ =	shalt  }
0x4d: {  	_ =	shalt  }
0x4e: {  	_ =	shalt  }
0x4f: {  	_ =	shalt  }
0x50: {  	_ =	shalt  }
0x51: {  	_ =	shalt  }
0x52: {  	_ =	shalt  }
0x53: {  	_ =	shalt  }
0x54: {  	_ =	shalt  }
0x55: {  	_ =	shalt  }
0x56: {  	_ =	shalt  }
0x57: {  	_ =	shalt  }
0x58: {  	_ =	shalt  }
0x59: {  	_ =	shalt  }
0x5a: {  	_ =	shalt  }
0x5b: {  	_ =	shalt  }
0x5c: {  	_ =	shalt  }
0x5d: {  	_ =	shalt  }
0x5e: {  	_ =	shalt  }
0x5f: {  	_ =	shalt  }
0x60: {  	_ =	shalt  }
0x61: {  	_ =	shalt  }
0x62: {  	_ =	shalt  }
0x63: {  	_ =	shalt  }
0x64: {  	_ =	shalt  }
0x65: {  	_ =	shalt  }
0x66: {  	_ =	shalt  }
0x67: {  	_ =	shalt  }
0x68: {  	_ =	shalt  }
0x69: {  	_ =	shalt  }
0x6a: {  	_ =	shalt  }
0x6b: {  	_ =	shalt  }
0x6c: {  	_ =	shalt  }
0x6d: {  	_ =	shalt  }
0x6e: {  	_ =	shalt  }
0x6f: {  	_ =	shalt  }
0x70: {  	_ =	shalt  }
0x71: {  	_ =	shalt  }
0x72: {  	_ =	shalt  }
0x73: {  	_ =	shalt  }
0x74: {  	_ =	shalt  }
0x75: {  	_ =	shalt  }
0x76: {  	_ =	shalt  }
0x77: {  	_ =	shalt  }
0x78: {  	_ =	shalt  }
0x79: {  	_ =	shalt  }
0x7a: {  	_ =	shalt  }
0x7b: {  	_ =	shalt  }
0x7c: {  	_ =	shalt  }
0x7d: {  	_ =	shalt  }
0x7e: {  	_ =	shalt  }
0x7f: {  	_ =	shalt  }
0x80: {  	_ =	shalt  }
0x81: {  	_ =	shalt  }
0x82: {  	_ =	shalt  }
0x83: {  	_ =	shalt  }
0x84: {  	_ =	shalt  }
0x85: {  	_ =	shalt  }
0x86: {  	_ =	shalt  }
0x87: {  	_ =	shalt  }
.Lfunc_end0:
.L_simem_size_0:
called_computation_lowered:
.L_overlay_start_0:
0x88: {  	s2 =	sld [smem:$0x3FD9]  }
0x89: {  	s3 =	sld [smem:$0x3FFE];
	_ =	sdelay $0x1  }
0x8a: {  	s1 =	srdreg.scid  }
0x8b: {  	s0 =	sand.u32 $0x1, s1  }
0x8c: {  	s17 =	sshll.u32 s0, $0xA;
	s2 =	sadd.s32 s3, s2  }
0x8d: {  	s2 =	sadd.s32 s2, s17  }
0x8e: {  	[smem:$0x3FC0] =	sst s2  }
0x8f: {  	_ = 	snop  }
0x90: {  	s2 =	sld [smem:$0x3FD0];
	(tm) =	ssettm $0x1  }
0x91: {  	s18 =	sld [smem:$0x3FFB];
	_ =	sdelay $0x3  }
0x92: {  	_ =	strace s18  }
0x93: {  	s3 =	sld [smem:$0x3FFC];
	_ =	sdelay $0x3  }
0x94: {  	_ =	strace s3  }
0x95: {  	s3 =	sld [smem:$0x3FFD];
	_ =	sdelay $0x3  }
0x96: {  	_ =	strace s3  }
0x97: {  	_ =	strace $0x8FFFFFFF  }
0x98: {  	s19 =	sld [smem:$0x3FDB];
	_ =	sdelay $0x1  }
0x99: {  	s4 =	simm.s32 $_scs_section_size  }
0x9a: {  	s5 =	simm.s32 $_size__tile_overlayer_lowered;
	s6 =	simm.s32 $_tile_overlayer_lowered  }
0x9b: {  	s22 =	simm.s32 $0x1BFF;
	s21 =	sshll.u32 s6, $0x1;
	s3 =	sadd.s32 s4, s19  }
0x9c: {  	s7 =	simm.s32 $0x0;
	s20 =	sshll.u32 s5, $0x1;
	s5 =	sadd.s32 s21, s3  }
0x9d: {  	[timem:s7], [sflag:s22] =	dma.local [hbm:s5], s20  }
0x9e: {  	_ =	swait.ge [sflag:s22], s20  }
0x9f: {  	s4 =	ssub.s32 $0x0, s20;
	[sflag:s22] =	ssyncset.done $0x0  }
0xa0: {  	[sflag:s22] =	ssyncadd.s32 s4;
	_ =	sdelay $0x1  }
0xa1: {  	s23 =	simm.s32 $0x1B8B  }
0xa2: {  	_ =	swait.ge [sflag:s23], $0x1  }
0xa3: {  	[sflag:s23] =	ssyncset.done $0x0  }
0xa4: {  	s25 =	simm.s32 $0x1B8E;
	s24 =	sld [smem:$0x3FFE];
	[sflag:s23] =	ssyncadd.s32 $0xFFFFFFFF  }
0xa5: {  	s26 =	simm.s32 $execute0_lowered;
	[smem:$0x3FD2] =	sst s25  }
0xa6: {  	s5 =	sshll.u32 s26, $0x1;
	_ =	strace $0x80000046;
	[dreg:$0x1] =	wrdreg $0xFFFFFFFF  }
0xa7: {  	s28 =	simm.s32 $_size_execute0_lowered;
	s3 =	sadd.s32 s3, s5;
	[dreg:$0x0] =	wrdreg $0x0  }
0xa8: {  	s5 =	sshll.u32 s28, $0x1;
	[dreg:$0x2] =	wrdreg s3  }
0xa9: {  	[dreg:$0x3] =	wrdreg s5  }
0xaa: {  	[dreg:$0x4] =	wrdreg $0xC0  }
0xab: {  	_ =	task [dreg:s7], $0x5FFFF  }
0xac: {  	[dreg:$0x1] =	wrdreg $0xFFFFFFFF  }
0xad: {  	[dreg:$0x0] =	wrdreg $0x60  }
0xae: {  	[dreg:$0x2] =	wrdreg s2  }
0xaf: {  	[dreg:$0x3] =	wrdreg s24  }
0xb0: {  	[dreg:$0x4] =	wrdreg $0x9  }
0xb1: {  	_ =	task.clear_ibuf [dreg:s7], $0x5FFFF;
	_ =	strace $0x90000046  }
0xb2: {  	s29 =	simm.s32 $0x9;
	_ =	strace $0x80000048  }
0xb3: {  	_ =	swait.ge [sflag:s29], $0x1  }
0xb4: {  	[sflag:s29] =	ssyncadd.s32 $0xFFFFFFFF  }
0xb5: {  	_ =	strace $0x90000048  }
0xb6: {  	_ =	sfence  }
0xb7: {  	s30 =	sld [smem:$0x0];
	_ =	sdelay $0x2  }
0xb8: {  	s31 =	sshll.u32 s1, $0xD;
	s1 =	sshrl.u32 s1, $0x2  }
0xb9: {  	s3 =	sand.u32 $0x4000, s31;
	s1 =	sadd.s32 s1, s30  }
0xba: {  	s0 =	sor.u32 s3, s0;
	s1 =	sshll.u32 s1, $0x11  }
0xbb: {  	s0 =	sor.u32 s1, s0  }
0xbc: {  	s0 =	sadd.s32 $0x8F2B, s0  }
0xbd: {  	[sflag:s0] =	ssyncadd.remote.s32 $0x1  }
0xbe: {  	_ =	sfence.sel $0xFFFF  }
0xbf: {  	[dreg:$0x0] =	wrdreg $0xFFFFFFFF;
	(pc) =	sbr.abs _section_cstart, $3  }
0xc0: {  	[dreg:$0x1] =	wrdreg $0xFFFFFFFF  }
0xc1: {  	_ =	task.clear_ibuf [dreg:s7], $0x2FFFF;
	_ =	strace $0x9FFFFFFF  }
0xc2: {  	(tm) =	ssettm $0x7FFFFFFF  }
0xc3: {  	_ =	shalt  }
tec
execute0_lowered:
.L_overlay_start_1:
0x0: {  	(tag) =	ssettag $0x1  }
0x1: {  	s6 =	rddreg [dreg:$0x0]  }
0x2: {  	s1 =	srdreg.scid;
	s0 =	stileid.u32  }
0x3: {  	s4 =	rddreg [dreg:$0x1];
	s2 =	simm.s32 $0x0;
	s16 =	simm.s32 $0xC80  }
0x4: {  	s17 =	simm.s32 $0x1900;
	s18 =	simm.s32 $0x2580;
	s19 =	simm.s32 $0x3200  }
0x5: {  	s20 =	simm.s32 $0x3E80;
	s21 =	simm.s32 $0x4B00;
	s22 =	simm.s32 $0x5780  }
0x6: {  	s23 =	simm.s32 $0x7780;
	s24 =	simm.s32 $0x8400;
	s25 =	simm.s32 $0x9080  }
0x7: {  	s3 =	sand.u32 $0x1, s1;
	s5 =	sshll.u32 s0, $0x1;
	s1 =	rddreg [dreg:$0x2]  }
0x8: {  	s26 =	simm.s32 $0x0;
	[smem:$0x7FF] =	sst s2;
	s5 =	sor.u32 s3, s5  }
0x9: {  	s9 =	sadd.s32 $0x600, s4;
	s31 =	ssub.s32 $0x2, s3;
	s5 =	smul.u32 $0xC80, s5  }
0xa: {  	s13 =	sadd.s32 $0xD200, s4;
	_ =	strace $0x80000047;
	s7 =	sshrl.u32 s31, $0x1  }
0xb: {  	s3 =	sadd.s32 $0xCE00, s4;
	s14 =	ssub.s32 s31, s7;
	s11 =	sshrl.u32 s5, $0x3  }
0xc: {  	s14 =	smax.u32 s14, $0x1;
	s10 =	sadd.s32 s11, s4;
	s12 =	sadd.s32 $0x3200, s11  }
0xd: {  	s4 =	sadd.s32 s6, s11;
	s15 =	sadd.s32 $0x6400, s11;
	s7 =	sadd.s32 s9, s11  }
0xe: {  	s11 =	sadd.s32 s13, s11;
	s5 =	sadd.s32 s6, s12;
	s6 =	sadd.s32 s6, s15  }
0xf: {  	s8 =	sadd.s32 s9, s12;
	s9 =	sadd.s32 s9, s15;
	s10 =	sadd.s32 $0x9C00, s10  }
0x10: {  	s12 =	sadd.s32 s13, s12;
	s13 =	sadd.s32 s13, s15;
	s15 =	simm.s32 $0x1  }
.LBB2_1:
0x11: {  	[tilespmem:s2], [sflag:$0x1] =	stream.linear.gather [hbm4b:s4+s2], $0xC80, $0x38;
	[tilespmem:$0x9D00] =	vst v63  }
0x12: {  	_ =	swait.ge [sflag:s15], $0xC80  }
0x13: {  	[sflag:s15] =	ssyncset.done $0x0  }
0x14: {  	[sflag:s15] =	ssyncadd.s32 $0xFFFFF380  }
0x15: {  	[tilespmem:s16], [sflag:$0x1] =	stream.linear.gather [hbm4b:s5+s2], $0xC80, $0x38;
	[tilespmem:$0x9D00] =	vst v63  }
0x16: {  	_ =	swait.ge [sflag:s15], $0xC80  }
0x17: {  	[sflag:s15] =	ssyncset.done $0x0  }
0x18: {  	[sflag:s15] =	ssyncadd.s32 $0xFFFFF380  }
0x19: {  	[tilespmem:s17], [sflag:$0x1] =	stream.linear.gather [hbm4b:s6+s2], $0xC80, $0x38;
	[tilespmem:$0x9D00] =	vst v63  }
0x1a: {  	_ =	swait.ge [sflag:s15], $0xC80  }
0x1b: {  	[sflag:s15] =	ssyncset.done $0x0  }
0x1c: {  	[sflag:s15] =	ssyncadd.s32 $0xFFFFF380  }
0x1d: {  	[tilespmem:s18], [sflag:$0x1] =	stream.linear.gather [hbm4b:s7+s2], $0xC80, $0x38;
	[tilespmem:$0x9D00] =	vst v63  }
0x1e: {  	_ =	swait.ge [sflag:s15], $0xC80  }
0x1f: {  	[sflag:s15] =	ssyncset.done $0x0  }
0x20: {  	[sflag:s15] =	ssyncadd.s32 $0xFFFFF380  }
0x21: {  	[tilespmem:s19], [sflag:$0x1] =	stream.linear.gather [hbm4b:s8+s2], $0xC80, $0x38;
	[tilespmem:$0x9D00] =	vst v63  }
0x22: {  	_ =	swait.ge [sflag:s15], $0xC80  }
0x23: {  	[sflag:s15] =	ssyncset.done $0x0  }
0x24: {  	[sflag:s15] =	ssyncadd.s32 $0xFFFFF380  }
0x25: {  	[tilespmem:s20], [sflag:$0x1] =	stream.linear.gather [hbm4b:s9+s2], $0xC80, $0x38;
	[tilespmem:$0x9D00] =	vst v63  }
0x26: {  	_ =	swait.ge [sflag:s15], $0xC80  }
0x27: {  	[sflag:s15] =	ssyncset.done $0x0  }
0x28: {  	[sflag:s15] =	ssyncadd.s32 $0xFFFFF380  }
0x29: {  	[tilespmem:s21], [sflag:$0x1] =	stream.linear.gather [hbm4b:s10+s2], $0xC80, $0x38;
	[tilespmem:$0x9D00] =	vst v63  }
0x2a: {  	_ =	swait.ge [sflag:s15], $0xC80  }
0x2b: {  	[sflag:s15] =	ssyncset.done $0x0  }
0x2c: {  	[sflag:s15] =	ssyncadd.s32 $0xFFFFF380  }
0x2d: {  	[tilespmem:s22], [sflag:$0x1] =	stream.linear.gather [hbm4b:s3+s2], $0x2000, $0x38;
	[tilespmem:$0x9D00] =	vst v63  }
0x2e: {  	_ =	swait.ge [sflag:s15], $0x2000  }
0x2f: {  	[sflag:s15] =	ssyncset.done $0x0  }
0x30: {  	s28 =	simm.s32 $0x0;
	[sflag:s15] =	ssyncadd.s32 $0xFFFFE000  }
0x31: {  	v0 =	vld [tilespmem:s28+$0x4B70];
	_ =	sdelay $0x3  }
0x32: {  	v12 =	vld [tilespmem:s28+$0x4B00]  }
0x33: {  	v9 =	vld [tilespmem:s28+$0x4B10];
	v3 =	vadd.s32 $0xC00, v0  }
0x34: {  	v8 =	vld [tilespmem:s28+$0x4B20]  }
0x35: {  	v7 =	vld [tilespmem:s28+$0x4B30]  }
0x36: {  	v6 =	vld [tilespmem:s28+$0x4B40]  }
0x37: {  	v5 =	vld [tilespmem:s28+$0x4B50];
	v1 =	vadd.s32 $0x600, v0  }
0x38: {  	v2 =	vadd.s32 $0x800, v0;
	v3 =	vld.idx.msk [tilespmem:v3+s22+$0x0], $0xffff  }
0x39: {  	v14 =	vld [tilespmem:s28+$0x4B60];
	v10 =	vadd.s32 $0xE00, v0  }
0x3a: {  	v23 =	vld [tilespmem:s28+$0x25F0]  }
0x3b: {  	v21 =	vld [tilespmem:s28+$0x3270]  }
0x3c: {  	v16 =	vld.idx.msk [tilespmem:v1+s22+$0x0], $0xffff  }
0x3d: {  	v11 =	vld.idx.msk [tilespmem:v2+s22+$0x0], $0xffff;
	[tilespmem:$0x1FFD0] =	vst v3  }
0x3e: {  	v4 =	vld.idx.msk [tilespmem:v10+s22+$0x0], $0xffff  }
0x3f: {  	v13 =	vadd.s32 $0x600, v12;
	_ =	sdelay $0x3  }
0x40: {  	[tilespmem:$0x1FFC0] =	vst v4  }
0x41: {  	v2 =	vld.idx.msk [tilespmem:v13+s22+$0x0], $0xffff  }
0x42: {  	v1 =	vadd.s32 $0x800, v12  }
0x43: {  	v17 =	vadd.s32 $0xA00, v12;
	_ =	sdelay $0x2  }
0x44: {  	[tilespmem:$0x1FF50] =	vst v2  }
0x45: {  	v15 =	vadd.s32 $0x400, v0;
	v26 =	vld.idx.msk [tilespmem:v1+s22+$0x0], $0xffff  }
0x46: {  	v1 =	vld.idx.msk [tilespmem:v17+s22+$0x0], $0xffff  }
0x47: {  	v10 =	vadd.s32 $0x600, v9;
	_ =	sdelay $0x2  }
0x48: {  	v25 =	vld.idx.msk [tilespmem:v15+s22+$0x0], $0xffff  }
0x49: {  	v15 =	vld [tilespmem:s28+$0x1970];
	[tilespmem:$0x1FF60] =	vst v1  }
0x4a: {  	v1 =	vld.idx.msk [tilespmem:v10+s22+$0x0], $0xffff  }
0x4b: {  	v13 =	vadd.s32 $0x800, v9;
	_ =	sdelay $0x3  }
0x4c: {  	[tilespmem:$0x1FF70] =	vst v1  }
0x4d: {  	v1 =	vld.idx.msk [tilespmem:v13+s22+$0x0], $0xffff;
	_ =	sdelay $0x4  }
0x4e: {  	v18 =	vadd.s32 $0xA00, v9;
	[tilespmem:$0x1FF80] =	vst v1  }
0x4f: {  	v17 =	vadd.s32 $0x200, v0;
	v10 =	vadd.s32 $0x1000, v0;
	v13 =	vadd.s32 $0xA00, v0;
	v0 =	vld.idx.msk [tilespmem:v0+s22+$0x0], $0xffff;
	_ =	sdelay $0x4  }
0x50: {  	v27 =	vld.idx.msk [tilespmem:v18+s22+$0x0], $0xffff;
	[tilespmem:$0x1FF30] =	vst v0  }
0x51: {  	v0 =	vld.idx.msk [tilespmem:v17+s22+$0x0], $0xffff  }
0x52: {  	v19 =	vadd.s32 $0x600, v8;
	_ =	sdelay $0x3  }
0x53: {  	v18 =	vadd.s32 $0x800, v8;
	[tilespmem:$0x1FF40] =	vst v0  }
0x54: {  	v31 =	vld.idx.msk [tilespmem:v19+s22+$0x0], $0xffff;
	v19 =	vadd.s32 $0x600, v6  }
0x55: {  	v28 =	vadd.s32 $0xA00, v8  }
0x56: {  	v17 =	vadd.s32 $0x600, v7;
	v29 =	vld.idx.msk [tilespmem:v10+s22+$0x0], $0xffff  }
0x57: {  	v30 =	vadd.s32 $0x800, v7;
	v1 =	vld.idx.msk [tilespmem:v13+s22+$0x0], $0xffff  }
0x58: {  	v13 =	vadd.s32 $0xA00, v7;
	v32 =	vld.idx.msk [tilespmem:v18+s22+$0x0], $0xffff  }
0x59: {  	v37 =	vld.idx.msk [tilespmem:v19+s22+$0x0], $0xffff;
	v19 =	vadd.s32 $0x600, v14  }
0x5a: {  	v18 =	vadd.s32 $0x800, v6;
	v41 =	vld.idx.msk [tilespmem:v28+s22+$0x0], $0xffff  }
0x5b: {  	v33 =	vadd.s32 $0xA00, v6;
	v34 =	vld.idx.msk [tilespmem:v17+s22+$0x0], $0xffff  }
0x5c: {  	v35 =	vadd.s32 $0x800, v5;
	v30 =	vld.idx.msk [tilespmem:v30+s22+$0x0], $0xffff  }
0x5d: {  	v17 =	vadd.s32 $0x600, v5;
	v36 =	vld.idx.msk [tilespmem:v13+s22+$0x0], $0xffff  }
0x5e: {  	v13 =	vadd.s32 $0xA00, v5;
	v0 =	vld.idx.msk [tilespmem:v19+s22+$0x0], $0xffff  }
0x5f: {  	v38 =	vld.idx.msk [tilespmem:v18+s22+$0x0], $0xffff;
	v18 =	vadd.s32 $0x800, v14  }
0x60: {  	v39 =	vadd.s32 $0xA00, v14;
	v33 =	vld.idx.msk [tilespmem:v33+s22+$0x0], $0xffff  }
0x61: {  	v35 =	vld.idx.msk [tilespmem:v35+s22+$0x0], $0xffff  }
0x62: {  	v40 =	vld.idx.msk [tilespmem:v17+s22+$0x0], $0xffff  }
0x63: {  	v42 =	vld.idx.msk [tilespmem:v13+s22+$0x0], $0xffff;
	[tilespmem:$0x1FF90] =	vst v0  }
0x64: {  	v43 =	vld.idx.msk [tilespmem:v18+s22+$0x0], $0xffff  }
0x65: {  	v39 =	vld.idx.msk [tilespmem:v39+s22+$0x0], $0xffff  }
0x66: {  	v44 =	vld [tilespmem:s28+$0x2580]  }
0x67: {  	v13 =	vadd.s32 $0xC00, v12;
	v45 =	vld [tilespmem:s28+$0x3200]  }
0x68: {  	v17 =	vadd.s32 $0xE00, v12;
	v46 =	vld [tilespmem:s28+$0x3E80]  }
0x69: {  	v19 =	vadd.s32 $0xC00, v9;
	v47 =	vld [tilespmem:s28+$0x2590]  }
0x6a: {  	v49 =	vadd.s32 $0xE00, v9;
	v48 =	vld [tilespmem:s28+$0x3210]  }
0x6b: {  	v51 =	vadd.s32 $0x1000, v9;
	v50 =	vld [tilespmem:s28+$0x3E90]  }
0x6c: {  	v56 =	vadd.s32 $0xE00, v7;
	v52 =	vld.idx.msk [tilespmem:v13+s22+$0x0], $0xffff  }
0x6d: {  	v18 =	vadd.s32 $0x1000, v12;
	v53 =	vld.idx.msk [tilespmem:v17+s22+$0x0], $0xffff  }
0x6e: {  	v57 =	vadd.s32 $0x1000, v7;
	v55 =	vld.idx.msk [tilespmem:v19+s22+$0x0], $0xffff  }
0x6f: {  	v63 =	vadd.s32 $0xE00, v5;
	v49 =	vld.idx.msk [tilespmem:v49+s22+$0x0], $0xffff  }
0x70: {  	v13 =	vadd.s32 $0xC00, v8;
	v51 =	vld.idx.msk [tilespmem:v51+s22+$0x0], $0xffff  }
0x71: {  	v17 =	vadd.s32 $0xE00, v8;
	v56 =	vld.idx.msk [tilespmem:v56+s22+$0x0], $0xffff  }
0x72: {  	v54 =	vld.idx.msk [tilespmem:v18+s22+$0x0], $0xffff;
	v18 =	vadd.s32 $0x1000, v8  }
0x73: {  	v62 =	vadd.s32 $0xC00, v5;
	v57 =	vld.idx.msk [tilespmem:v57+s22+$0x0], $0xffff  }
0x74: {  	v19 =	vadd.s32 $0xC00, v7;
	v0 =	vld.idx.msk [tilespmem:v63+s22+$0x0], $0xffff  }
0x75: {  	v58 =	vld.idx.msk [tilespmem:v13+s22+$0x0], $0xffff;
	v13 =	vadd.s32 $0xC00, v6  }
0x76: {  	v59 =	vld.idx.msk [tilespmem:v17+s22+$0x0], $0xffff;
	v17 =	vadd.s32 $0xE00, v6  }
0x77: {  	v60 =	vld.idx.msk [tilespmem:v18+s22+$0x0], $0xffff;
	v18 =	vadd.s32 $0x1000, v6  }
0x78: {  	v2 =	vadd.s32 $0x1000, v5;
	v28 =	vld.idx.msk [tilespmem:v62+s22+$0x0], $0xffff  }
0x79: {  	v61 =	vld.idx.msk [tilespmem:v19+s22+$0x0], $0xffff  }
0x7a: {  	v20 =	vld.idx.msk [tilespmem:v13+s22+$0x0], $0xffff  }
0x7b: {  	v22 =	vld.idx.msk [tilespmem:v17+s22+$0x0], $0xffff  }
0x7c: {  	v24 =	vld.idx.msk [tilespmem:v18+s22+$0x0], $0xffff;
	[tilespmem:$0x1FFA0] =	vst v0  }
0x7d: {  	v0 =	vld.idx.msk [tilespmem:v2+s22+$0x0], $0xffff;
	_ =	sdelay $0x4  }
0x7e: {  	[tilespmem:$0x1FFB0] =	vst v0  }
0x7f: {  	v62 =	vld [tilespmem:s28+$0x25A0]  }
0x80: {  	v63 =	vld [tilespmem:s28+$0x3220]  }
0x81: {  	v17 =	vld [tilespmem:s28+$0x3EA0]  }
0x82: {  	v16 =	vsub.f32 v23, v16;
	v11 =	vsub.f32 v21, v11;
	v21 =	vld [tilespmem:s28+$0x25B0]  }
0x83: {  	v18 =	vld [tilespmem:s28+$0x3230]  }
0x84: {  	v23 =	vmul.f32 v16, v4;
	v2 =	vmul.f32 v11, v3;
	v10 =	vld [tilespmem:s28+$0x3EB0]  }
0x85: {  	v0 =	vmul.f32 v11, v29;
	v4 =	vld [tilespmem:s28+$0x25C0]  }
0x86: {  	v2 =	vsub.f32 v23, v2;
	v23 =	vld [tilespmem:s28+$0x3240]  }
0x87: {  	v15 =	vsub.f32 v15, v25;
	v25 =	vld [tilespmem:s28+$0x3EC0];
	[tilespmem:$0x1FFE0] =	vst v0;
	v0 =	vmul.f32 v16, v29  }
0x88: {  	v11 =	vld [tilespmem:s28+$0x25D0]  }
0x89: {  	[tilespmem:$0x1FFF0] =	vst v0;
	v0 =	vld [tilespmem:$0x1FF50];
	_ =	sdelay $0x3  }
0x8a: {  	v29 =	vld [tilespmem:s28+$0x3250]  }
0x8b: {  	v2 =	vadd.f32 v15, v2;
	v15 =	vsub.f32 v44, v0;
	v0 =	vld [tilespmem:$0x1FF60]  }
0x8c: {  	v27 =	vsub.f32 v50, v27;
	v50 =	vadd.s32 $0xE00, v14;
	v3 =	vld [tilespmem:s28+$0x25E0]  }
0x8d: {  	v31 =	vsub.f32 v62, v31;
	v32 =	vsub.f32 v63, v32;
	v63 =	vld [tilespmem:s28+$0x3260]  }
0x8e: {  	v62 =	vadd.s32 $0x1000, v14;
	v13 =	vsub.f32 v17, v41;
	v17 =	vsub.f32 v21, v34;
	v34 =	vld [tilespmem:s28+$0x3EE0]  }
0x8f: {  	v18 =	vsub.f32 v18, v30;
	v10 =	vsub.f32 v10, v36;
	v30 =	vadd.s32 $0x400, v12;
	v36 =	vld [tilespmem:s28+$0x3EF0]  }
0x90: {  	v44 =	vsub.f32 v46, v0;
	v0 =	vld [tilespmem:$0x1FF70]  }
0x91: {  	v25 =	vsub.f32 v25, v33;
	v33 =	vsub.f32 v11, v40;
	v40 =	vld.idx.msk [tilespmem:v50+s22+$0x0], $0xffff  }
0x92: {  	v23 =	vsub.f32 v23, v38;
	v38 =	vadd.s32 $0x200, v9;
	v11 =	vadd.s32 $0x400, v9;
	v9 =	vld.idx.msk [tilespmem:v9+s22+$0x0], $0xffff  }
0x93: {  	v26 =	vsub.f32 v45, v26;
	v41 =	vld.idx.msk [tilespmem:v62+s22+$0x0], $0xffff  }
0x94: {  	v16 =	vsub.f32 v4, v37;
	v4 =	vmul.f32 v13, v58;
	v30 =	vld.idx.msk [tilespmem:v30+s22+$0x0], $0xffff;
	v46 =	vadd.s32 $0xC00, v14  }
0x95: {  	v58 =	vmul.f32 v32, v58;
	v13 =	vmul.f32 v13, v59;
	v45 =	vsub.f32 v47, v0;
	v0 =	vld [tilespmem:$0x1FF80]  }
0x96: {  	v21 =	vadd.s32 $0x200, v12;
	v59 =	vmul.f32 v31, v59;
	v32 =	vmul.f32 v32, v60;
	v47 =	vld [tilespmem:s28+$0x3ED0]  }
0x97: {  	v31 =	vmul.f32 v31, v60;
	v29 =	vsub.f32 v29, v35;
	v50 =	vmul.f32 v15, v53;
	v38 =	vld.idx.msk [tilespmem:v38+s22+$0x0], $0xffff  }
0x98: {  	v43 =	vsub.f32 v63, v43;
	v62 =	vmul.f32 v26, v52;
	v26 =	vmul.f32 v26, v54;
	v63 =	vld.idx.msk [tilespmem:v11+s22+$0x0], $0xffff  }
0x99: {  	v15 =	vmul.f32 v15, v54;
	v54 =	vmul.f32 v27, v55;
	[tilespmem:s28+$0x90F0] =	vst v2;
	v37 =	vld.idx.msk [tilespmem:v46+s22+$0x0], $0xffff;
	v46 =	vadd.s32 $0x400, v8  }
0x9a: {  	v27 =	vmul.f32 v27, v49;
	v11 =	vadd.s32 $0x200, v6;
	v48 =	vsub.f32 v48, v0;
	v0 =	vld [tilespmem:$0x1FF90]  }
0x9b: {  	v50 =	vsub.f32 v50, v62;
	v2 =	vadd.s32 $0x200, v14;
	v35 =	vsub.f32 v47, v42;
	v47 =	vld.idx.msk [tilespmem:v21+s22+$0x0], $0xffff  }
0x9c: {  	v42 =	vadd.s32 $0x200, v8;
	v21 =	vsub.f32 v34, v39;
	v39 =	vmul.f32 v44, v53;
	v8 =	vld.idx.msk [tilespmem:v8+s22+$0x0], $0xffff  }
0x9d: {  	v62 =	vadd.s32 $0x400, v5;
	v44 =	vmul.f32 v44, v52;
	v52 =	vadd.s32 $0x400, v6;
	v6 =	vld.idx.msk [tilespmem:v6+s22+$0x0], $0xffff  }
0x9e: {  	v49 =	vmul.f32 v45, v49;
	v45 =	vmul.f32 v45, v51;
	v26 =	vsub.f32 v26, v39;
	v39 =	vld.idx.msk [tilespmem:v46+s22+$0x0], $0xffff  }
0x9f: {  	v55 =	vmul.f32 v48, v55;
	v48 =	vmul.f32 v48, v51;
	v51 =	vld.idx.msk [tilespmem:v11+s22+$0x0], $0xffff  }
0xa0: {  	v60 =	vmul.f32 v10, v61;
	v11 =	vld.idx.msk [tilespmem:v2+s22+$0x0], $0xffff;
	v19 =	vsub.f32 v3, v0;
	v3 =	vadd.s32 $0x400, v14  }
0xa1: {  	v36 =	vsub.f32 v36, v1;
	v1 =	vld.idx.msk [tilespmem:v42+s22+$0x0], $0xffff;
	v42 =	vsub.f32 v44, v15;
	v44 =	vmul.f32 v10, v56  }
0xa2: {  	v46 =	vadd.s32 $0x200, v5;
	v5 =	vld.idx.msk [tilespmem:v5+s22+$0x0], $0xffff;
	v56 =	vmul.f32 v17, v56;
	v17 =	vmul.f32 v17, v57  }
0xa3: {  	v31 =	vsub.f32 v4, v31;
	v4 =	vmul.f32 v23, v20;
	v34 =	vadd.s32 $0x200, v7;
	v15 =	vld.idx.msk [tilespmem:v62+s22+$0x0], $0xffff  }
0xa4: {  	v27 =	vsub.f32 v48, v27;
	v62 =	vmul.f32 v18, v61;
	v0 =	vld [tilespmem:$0x1FFA0];
	v48 =	vsub.f32 v60, v17  }
0xa5: {  	v17 =	vmul.f32 v29, v28;
	v10 =	vld.idx.msk [tilespmem:v3+s22+$0x0], $0xffff;
	v3 =	vsub.f32 v32, v13;
	v13 =	vmul.f32 v18, v57  }
0xa6: {  	v53 =	vadd.s32 $0x400, v7;
	v18 =	vld.idx.msk [tilespmem:v12+s22+$0x0], $0xffff;
	v12 =	vmul.f32 v25, v20;
	v25 =	vmul.f32 v25, v22  }
0xa7: {  	v2 =	vsub.f32 v59, v58;
	v58 =	vld [tilespmem:s28+$0xC80];
	v22 =	vmul.f32 v16, v22;
	v16 =	vmul.f32 v16, v24  }
0xa8: {  	v32 =	vsub.f32 v13, v44;
	v13 =	vmul.f32 v23, v24;
	v24 =	vld.idx.msk [tilespmem:v7+s22+$0x0], $0xffff;
	v7 =	vmul.f32 v35, v28  }
0xa9: {  	v28 =	vsub.f32 v22, v4;
	v22 =	vmul.f32 v35, v0;
	v23 =	vmul.f32 v33, v0;
	v0 =	vld [tilespmem:$0x1FFB0]  }
0xaa: {  	v34 =	vld.idx.msk [tilespmem:v34+s22+$0x0], $0xffff  }
0xab: {  	v53 =	vld.idx.msk [tilespmem:v53+s22+$0x0], $0xffff  }
0xac: {  	v52 =	vld.idx.msk [tilespmem:v52+s22+$0x0], $0xffff;
	v20 =	vsub.f32 v56, v62;
	v56 =	vmul.f32 v43, v37;
	v16 =	vsub.f32 v12, v16  }
0xad: {  	v4 =	vld.idx.msk [tilespmem:v14+s22+$0x0], $0xffff;
	v14 =	vmul.f32 v21, v37;
	v12 =	vsub.f32 v23, v17;
	v17 =	vmul.f32 v21, v40  }
0xae: {  	v46 =	vld.idx.msk [tilespmem:v46+s22+$0x0], $0xffff;
	v25 =	vsub.f32 v13, v25;
	v21 =	vmul.f32 v19, v40;
	v13 =	vmul.f32 v29, v0  }
0xaf: {  	v60 =	vld [tilespmem:s28+$0x10]  }
0xb0: {  	v23 =	vsub.f32 v13, v22;
	v13 =	vsub.f32 v21, v56;
	v21 =	vld [tilespmem:$0x1FFD0]  }
0xb1: {  	v49 =	vsub.f32 v49, v55;
	v57 =	vld [tilespmem:s28+$0x0];
	v55 =	vmul.f32 v33, v0  }
0xb2: {  	v62 =	vld [tilespmem:s28+$0x1910]  }
0xb3: {  	v59 =	vmul.f32 v43, v41;
	v19 =	vmul.f32 v19, v41;
	v22 =	vsub.f32 v7, v55;
	v7 =	vld [tilespmem:$0x1FFC0]  }
0xb4: {  	v0 =	vld [tilespmem:s28+$0x1900]  }
0xb5: {  	v61 =	vmul.f32 v36, v21;
	v21 =	vsub.f32 v59, v17;
	v17 =	vsub.f32 v14, v19;
	v14 =	vld [tilespmem:$0x1FFE0]  }
0xb6: {  	v9 =	vsub.f32 v60, v9;
	v19 =	vld [tilespmem:s28+$0xC90]  }
0xb7: {  	v45 =	vsub.f32 v54, v45;
	v41 =	vld [tilespmem:s28+$0x20];
	v18 =	vsub.f32 v57, v18  }
0xb8: {  	v44 =	vld [tilespmem:s28+$0xCA0];
	v40 =	vsub.f32 v58, v47;
	v9 =	vadd.f32 v27, v9;
	v7 =	vmul.f32 v36, v7  }
0xb9: {  	v47 =	vld [tilespmem:s28+$0x1920];
	v18 =	vadd.f32 v26, v18;
	v43 =	vsub.f32 v0, v30  }
0xba: {  	v55 =	vld [tilespmem:s28+$0x30];
	v56 =	vsub.f32 v62, v63;
	v14 =	vsub.f32 v14, v7  }
0xbb: {  	v7 =	vld [tilespmem:$0x1FFF0];
	[tilespmem:s28+$0x7780] =	vst v18;
	v18 =	vadd.f32 v43, v50;
	v19 =	vsub.f32 v19, v38  }
0xbc: {  	v57 =	vld [tilespmem:s28+$0xCB0];
	v8 =	vsub.f32 v41, v8;
	[tilespmem:s28+$0x7790] =	vst v9;
	v9 =	vadd.f32 v56, v49  }
0xbd: {  	v58 =	vsub.f32 v44, v1;
	[tilespmem:s28+$0x9080] =	vst v18;
	v18 =	vadd.f32 v19, v45;
	v19 =	vld [tilespmem:s28+$0x1930]  }
0xbe: {  	v3 =	vadd.f32 v3, v8;
	v8 =	vsub.f32 v47, v39;
	v59 =	vld [tilespmem:s28+$0x40];
	[tilespmem:s28+$0x9090] =	vst v9  }
0xbf: {  	v24 =	vsub.f32 v55, v24;
	v9 =	vadd.f32 v58, v31;
	[tilespmem:s28+$0x8410] =	vst v18;
	v18 =	vld [tilespmem:s28+$0xCC0]  }
0xc0: {  	v60 =	vld [tilespmem:s28+$0x1940];
	v33 =	vadd.f32 v40, v42;
	v2 =	vadd.f32 v8, v2;
	[tilespmem:s28+$0x77A0] =	vst v3  }
0xc1: {  	v8 =	vld [tilespmem:s28+$0x50];
	v3 =	vsub.f32 v57, v34;
	[tilespmem:s28+$0x8420] =	vst v9;
	v9 =	vadd.f32 v32, v24  }
0xc2: {  	[tilespmem:s28+$0x8400] =	vst v33;
	v54 =	vsub.f32 v61, v7;
	v61 =	vld [tilespmem:s28+$0xCD0];
	v19 =	vsub.f32 v19, v53  }
0xc3: {  	[tilespmem:s28+$0x90A0] =	vst v2;
	v62 =	vsub.f32 v59, v6;
	v6 =	vld [tilespmem:s28+$0x1950];
	v3 =	vadd.f32 v3, v48  }
0xc4: {  	v2 =	vld [tilespmem:s28+$0x60];
	[tilespmem:s28+$0x77B0] =	vst v9;
	v9 =	vadd.f32 v19, v20;
	v18 =	vsub.f32 v18, v51  }
0xc5: {  	v63 =	vsub.f32 v60, v52;
	[tilespmem:s28+$0x8430] =	vst v3;
	v3 =	vld [tilespmem:s28+$0xCE0];
	v20 =	vadd.f32 v25, v62  }
0xc6: {  	v19 =	vsub.f32 v8, v5;
	v5 =	vld [tilespmem:s28+$0x1960];
	[tilespmem:s28+$0x90B0] =	vst v9;
	v18 =	vadd.f32 v18, v16  }
0xc7: {  	s29 =	simm.s32 $0x0;
	s30 =	simm.s32 $0x200;
	v8 =	vld [tilespmem:s28+$0x70];
	[tilespmem:s28+$0x77C0] =	vst v20;
	v9 =	vadd.f32 v63, v28;
	v16 =	vsub.f32 v61, v46  }
.LBB2_2:
0xc8: {  	s31 =	sshra.s32 s30, $0x2;
	v0 =	vld [tilespmem:$0x1FF30]  }
0xc9: {  	[tilespmem:s28+$0x8440] =	vst v18;
	v18 =	vadd.f32 v23, v19;
	v19 =	vld [tilespmem:s31+$0x4B70]  }
0xca: {  	[tilespmem:s28+$0x90C0] =	vst v9;
	v9 =	vadd.f32 v16, v22;
	v7 =	vld [tilespmem:s31+$0x4B00]  }
0xcb: {  	v6 =	vsub.f32 v6, v15;
	v15 =	vld [tilespmem:s28+$0xCF0];
	v4 =	vsub.f32 v2, v4  }
0xcc: {  	v11 =	vsub.f32 v3, v11;
	v3 =	vld [tilespmem:s31+$0x4B10];
	v10 =	vsub.f32 v5, v10  }
0xcd: {  	[tilespmem:s28+$0x77D0] =	vst v18;
	v5 =	vld [tilespmem:s31+$0x4B30];
	v1 =	vsub.f32 v8, v0;
	v6 =	vadd.f32 v6, v12  }
0xce: {  	[tilespmem:s28+$0x8450] =	vst v9;
	v0 =	vld [tilespmem:$0x1FF40];
	v9 =	vadd.f32 v21, v4  }
0xcf: {  	v4 =	vld [tilespmem:s31+$0x4B20];
	v1 =	vadd.f32 v14, v1;
	[tilespmem:s28+$0x90D0] =	vst v6  }
0xd0: {  	v11 =	vadd.f32 v11, v17;
	v17 =	vadd.s32 $0xE00, v19;
	[tilespmem:s28+$0x77E0] =	vst v9;
	v6 =	vld [tilespmem:s31+$0x4B40]  }
0xd1: {  	v12 =	vadd.s32 $0x600, v7;
	v9 =	vadd.f32 v10, v13;
	v8 =	vld [tilespmem:s31+$0x4B50];
	[tilespmem:s28+$0x77F0] =	vst v1  }
0xd2: {  	v22 =	vadd.s32 $0x400, v19;
	[tilespmem:s28+$0x8460] =	vst v11;
	v18 =	vld [tilespmem:s31+$0x25F0]  }
0xd3: {  	[tilespmem:s28+$0x90E0] =	vst v9;
	v21 =	vld [tilespmem:s31+$0x3270]  }
0xd4: {  	v47 =	vadd.s32 $0xC00, v7;
	v9 =	vld [tilespmem:s31+$0x4B60]  }
0xd5: {  	v45 =	vadd.s32 $0xE00, v7;
	v29 =	vld.idx.msk [tilespmem:v17+s22+$0x0], $0xffff  }
0xd6: {  	v46 =	vadd.s32 $0x1000, v7;
	v61 =	vld.idx.msk [tilespmem:v12+s22+$0x0], $0xffff  }
0xd7: {  	v10 =	vadd.s32 $0x800, v19;
	v12 =	vld.idx.msk [tilespmem:v22+s22+$0x0], $0xffff  }
0xd8: {  	v24 =	vsub.f32 v15, v0;
	v0 =	vadd.s32 $0x600, v19;
	v17 =	vld [tilespmem:s31+$0x1970]  }
0xd9: {  	v11 =	vadd.s32 $0xC00, v19;
	v47 =	vld.idx.msk [tilespmem:v47+s22+$0x0], $0xffff  }
0xda: {  	v13 =	vadd.s32 $0x800, v7;
	v45 =	vld.idx.msk [tilespmem:v45+s22+$0x0], $0xffff  }
0xdb: {  	v14 =	vadd.s32 $0xA00, v7;
	v46 =	vld.idx.msk [tilespmem:v46+s22+$0x0], $0xffff  }
0xdc: {  	v16 =	vadd.s32 $0xA00, v3;
	v23 =	vld.idx.msk [tilespmem:v10+s22+$0x0], $0xffff  }
0xdd: {  	v50 =	vadd.s32 $0x600, v5;
	v0 =	vld.idx.msk [tilespmem:v0+s22+$0x0], $0xffff  }
0xde: {  	v51 =	vadd.s32 $0x800, v5;
	v10 =	vld.idx.msk [tilespmem:v11+s22+$0x0], $0xffff  }
0xdf: {  	v1 =	vadd.s32 $0x800, v3;
	v63 =	vld.idx.msk [tilespmem:v13+s22+$0x0], $0xffff  }
0xe0: {  	v11 =	vld.idx.msk [tilespmem:v14+s22+$0x0], $0xffff  }
0xe1: {  	v15 =	vadd.s32 $0x600, v3;
	v16 =	vld.idx.msk [tilespmem:v16+s22+$0x0], $0xffff  }
0xe2: {  	v14 =	vadd.s32 $0x1000, v19;
	v44 =	vld.idx.msk [tilespmem:v50+s22+$0x0], $0xffff;
	v0 =	vsub.f32 v18, v0;
	v18 =	vsub.f32 v21, v23  }
0xe3: {  	v20 =	vadd.s32 $0x600, v4;
	v51 =	vld.idx.msk [tilespmem:v51+s22+$0x0], $0xffff  }
0xe4: {  	v48 =	vadd.s32 $0x800, v4;
	[tilespmem:$0x1FEE0] =	vst v10;
	v21 =	vmul.f32 v18, v10;
	v10 =	vld.idx.msk [tilespmem:v1+s22+$0x0], $0xffff  }
0xe5: {  	v13 =	vadd.s32 $0x200, v19;
	v1 =	vld.idx.msk [tilespmem:v19+s22+$0x0], $0xffff  }
0xe6: {  	v22 =	vadd.s32 $0xA00, v19;
	v40 =	vld.idx.msk [tilespmem:v15+s22+$0x0], $0xffff  }
0xe7: {  	v52 =	vadd.s32 $0xA00, v5;
	v15 =	vmul.f32 v0, v29;
	v19 =	vld.idx.msk [tilespmem:v14+s22+$0x0], $0xffff  }
0xe8: {  	v2 =	vmov v54;
	v54 =	vadd.s32 $0x800, v6;
	v41 =	vld.idx.msk [tilespmem:v20+s22+$0x0], $0xffff  }
0xe9: {  	v56 =	vadd.s32 $0x600, v8;
	v12 =	vsub.f32 v17, v12;
	v42 =	vld.idx.msk [tilespmem:v48+s22+$0x0], $0xffff;
	v15 =	vsub.f32 v15, v21  }
0xea: {  	v58 =	vadd.s32 $0xA00, v8;
	[tilespmem:$0x1FF30] =	vst v1;
	v1 =	vld.idx.msk [tilespmem:v13+s22+$0x0], $0xffff  }
0xeb: {  	v60 =	vadd.s32 $0x800, v9;
	v13 =	vadd.f32 v12, v15;
	v12 =	vld.idx.msk [tilespmem:v22+s22+$0x0], $0xffff  }
0xec: {  	v53 =	vadd.s32 $0x600, v6;
	v18 =	vmul.f32 v18, v19;
	v20 =	vmul.f32 v0, v19;
	v19 =	vld.idx.msk [tilespmem:v52+s22+$0x0], $0xffff  }
0xed: {  	v55 =	vadd.s32 $0xA00, v6;
	v52 =	vld.idx.msk [tilespmem:v54+s22+$0x0], $0xffff  }
0xee: {  	v57 =	vadd.s32 $0x800, v8;
	v54 =	vld.idx.msk [tilespmem:v56+s22+$0x0], $0xffff  }
0xef: {  	v24 =	vadd.f32 v24, v2;
	v59 =	vadd.s32 $0x600, v9;
	v56 =	vld.idx.msk [tilespmem:v58+s22+$0x0], $0xffff  }
0xf0: {  	v58 =	vld.idx.msk [tilespmem:v60+s22+$0x0], $0xffff;
	[tilespmem:s31+$0x90F0] =	vst v13  }
0xf1: {  	v62 =	vadd.s32 $0xA00, v9;
	[tilespmem:s28+$0x8470] =	vst v24;
	v24 =	vld.idx.msk [tilespmem:v53+s22+$0x0], $0xffff  }
0xf2: {  	v53 =	vld.idx.msk [tilespmem:v55+s22+$0x0], $0xffff  }
0xf3: {  	v49 =	vadd.s32 $0xA00, v4;
	v55 =	vld.idx.msk [tilespmem:v57+s22+$0x0], $0xffff  }
0xf4: {  	s28 =	smov.u32 s31;
	v57 =	vld.idx.msk [tilespmem:v59+s22+$0x0], $0xffff;
	[tilespmem:$0x1FF40] =	vst v1;
	v1 =	vadd.s32 $0x200, v3  }
0xf5: {  	v60 =	vld [tilespmem:s28+$0x2580];
	[tilespmem:$0x1FEA0] =	vst v1;
	v1 =	vadd.s32 $0x400, v3  }
0xf6: {  	v59 =	vld.idx.msk [tilespmem:v62+s22+$0x0], $0xffff;
	[tilespmem:$0x1FEB0] =	vst v1;
	v1 =	vadd.s32 $0x200, v5  }
0xf7: {  	v62 =	vld [tilespmem:s28+$0x3200];
	[tilespmem:$0x1FEC0] =	vst v1;
	v1 =	vadd.s32 $0x200, v6  }
0xf8: {  	v43 =	vld.idx.msk [tilespmem:v49+s22+$0x0], $0xffff;
	[tilespmem:$0x1FEF0] =	vst v1;
	v1 =	vadd.s32 $0x400, v6  }
0xf9: {  	v0 =	vld [tilespmem:s28+$0x3E80];
	[tilespmem:$0x1FF00] =	vst v1;
	v1 =	vadd.s32 $0x400, v8  }
0xfa: {  	v60 =	vsub.f32 v60, v61;
	v61 =	vld [tilespmem:s28+$0x3E90];
	[tilespmem:$0x1FF10] =	vst v1;
	v1 =	vadd.s32 $0x200, v9  }
0xfb: {  	[tilespmem:$0x1FF20] =	vst v1;
	v1 =	vld [tilespmem:s28+$0x2590]  }
0xfc: {  	v62 =	vsub.f32 v62, v63;
	v63 =	vld [tilespmem:s28+$0x25A0]  }
0xfd: {  	v2 =	vld [tilespmem:s28+$0x3210]  }
0xfe: {  	v0 =	vsub.f32 v0, v11;
	v11 =	vld [tilespmem:s28+$0x3220]  }
0xff: {  	v16 =	vsub.f32 v61, v16;
	v61 =	vld [tilespmem:s28+$0x3230]  }
0x100: {  	v1 =	vsub.f32 v1, v40;
	v40 =	vld [tilespmem:s28+$0x3EA0]  }
0x101: {  	v41 =	vsub.f32 v63, v41;
	v63 =	vld [tilespmem:s28+$0x3EB0]  }
0x102: {  	v2 =	vsub.f32 v2, v10;
	v10 =	vld [tilespmem:s28+$0x25B0]  }
0x103: {  	v11 =	vsub.f32 v11, v42;
	v42 =	vld [tilespmem:s28+$0x25C0]  }
0x104: {  	v51 =	vsub.f32 v61, v51;
	v61 =	vld [tilespmem:s28+$0x25D0]  }
0x105: {  	v40 =	vsub.f32 v40, v43;
	v43 =	vld [tilespmem:s28+$0x3240]  }
0x106: {  	v19 =	vsub.f32 v63, v19;
	v63 =	vld [tilespmem:s28+$0x3250]  }
0x107: {  	v10 =	vsub.f32 v10, v44;
	v44 =	vld [tilespmem:s28+$0x3EC0]  }
0x108: {  	v25 =	vadd.s32 $0xC00, v3;
	v24 =	vsub.f32 v42, v24;
	v42 =	vld [tilespmem:s28+$0x3ED0]  }
0x109: {  	v26 =	vadd.s32 $0xE00, v3;
	v54 =	vsub.f32 v61, v54;
	v61 =	vld [tilespmem:s28+$0x3EE0]  }
0x10a: {  	v27 =	vadd.s32 $0x1000, v3;
	v28 =	vadd.s32 $0xC00, v4;
	v43 =	vsub.f32 v43, v52;
	v52 =	vld [tilespmem:s28+$0x25E0]  }
0x10b: {  	v39 =	vadd.s32 $0xC00, v5;
	v35 =	vadd.s32 $0xE00, v5;
	v55 =	vsub.f32 v63, v55;
	v63 =	vld [tilespmem:s28+$0x3EF0]  }
0x10c: {  	v37 =	vadd.s32 $0xE00, v4;
	v38 =	vadd.s32 $0x1000, v4;
	v44 =	vsub.f32 v44, v53;
	v53 =	vld [tilespmem:s28+$0x3260]  }
0x10d: {  	v36 =	vadd.s32 $0xC00, v6;
	v34 =	vadd.s32 $0xE00, v6;
	v33 =	vadd.s32 $0x1000, v6;
	v25 =	vld.idx.msk [tilespmem:v25+s22+$0x0], $0xffff  }
0x10e: {  	v26 =	vld.idx.msk [tilespmem:v26+s22+$0x0], $0xffff;
	v23 =	vadd.s32 $0x1000, v5;
	v42 =	vsub.f32 v42, v56;
	v56 =	vsub.f32 v61, v59  }
0x10f: {  	v28 =	vld.idx.msk [tilespmem:v28+s22+$0x0], $0xffff;
	v59 =	vmul.f32 v62, v46;
	v46 =	vmul.f32 v60, v46;
	v52 =	vsub.f32 v52, v57  }
0x110: {  	v57 =	vsub.f32 v63, v12;
	v12 =	vld.idx.msk [tilespmem:v27+s22+$0x0], $0xffff;
	v27 =	vmul.f32 v0, v47;
	v47 =	vmul.f32 v62, v47  }
0x111: {  	v53 =	vsub.f32 v53, v58;
	v58 =	vld.idx.msk [tilespmem:v37+s22+$0x0], $0xffff;
	v0 =	vmul.f32 v0, v45;
	v45 =	vmul.f32 v60, v45  }
0x112: {  	v32 =	vadd.s32 $0xC00, v8;
	v61 =	vld.idx.msk [tilespmem:v34+s22+$0x0], $0xffff;
	v62 =	vmul.f32 v16, v25;
	v25 =	vmul.f32 v2, v25  }
0x113: {  	v60 =	vld.idx.msk [tilespmem:v38+s22+$0x0], $0xffff;
	v38 =	vsub.f32 v59, v0;
	v0 =	vmul.f32 v16, v26;
	v16 =	vmul.f32 v1, v26  }
0x114: {  	v31 =	vadd.s32 $0xE00, v8;
	v30 =	vadd.s32 $0x1000, v8;
	[tilespmem:$0x1FED0] =	vst v29;
	v29 =	vadd.s32 $0xE00, v9;
	v63 =	vld.idx.msk [tilespmem:v39+s22+$0x0], $0xffff  }
0x115: {  	v26 =	vld.idx.msk [tilespmem:v35+s22+$0x0], $0xffff;
	v35 =	vsub.f32 v16, v25;
	v16 =	vmul.f32 v40, v28;
	v2 =	vmul.f32 v2, v12  }
0x116: {  	v14 =	vadd.s32 $0x400, v7;
	v1 =	vmul.f32 v1, v12;
	v12 =	vld.idx.msk [tilespmem:v23+s22+$0x0], $0xffff;
	v23 =	vmul.f32 v11, v28  }
0x117: {  	v59 =	vld.idx.msk [tilespmem:v36+s22+$0x0], $0xffff;
	v36 =	vsub.f32 v2, v0;
	v0 =	vmul.f32 v40, v58;
	v2 =	vmul.f32 v41, v58  }
0x118: {  	v34 =	vsub.f32 v62, v1;
	v1 =	vmul.f32 v11, v60;
	v11 =	vmul.f32 v41, v60;
	v62 =	vld.idx.msk [tilespmem:v33+s22+$0x0], $0xffff  }
0x119: {  	v33 =	vsub.f32 v2, v23;
	v2 =	vmul.f32 v19, v63;
	v23 =	vmul.f32 v51, v63;
	v63 =	vld.idx.msk [tilespmem:v32+s22+$0x0], $0xffff  }
0x11a: {  	v32 =	vsub.f32 v1, v0;
	v0 =	vmul.f32 v19, v26;
	v1 =	vmul.f32 v10, v26;
	v19 =	vld.idx.msk [tilespmem:v31+s22+$0x0], $0xffff  }
0x11b: {  	v31 =	vsub.f32 v16, v11;
	v11 =	vmul.f32 v51, v12;
	v10 =	vmul.f32 v10, v12;
	v12 =	vld.idx.msk [tilespmem:v30+s22+$0x0], $0xffff  }
0x11c: {  	v13 =	vadd.s32 $0x400, v4  }
0x11d: {  	v17 =	vadd.s32 $0xC00, v9;
	v58 =	vld.idx.msk [tilespmem:v29+s22+$0x0], $0xffff;
	v30 =	vsub.f32 v1, v23  }
0x11e: {  	v60 =	vld.idx.msk [tilespmem:v14+s22+$0x0], $0xffff;
	v1 =	vmul.f32 v44, v59;
	v29 =	vsub.f32 v2, v10;
	v10 =	vmul.f32 v24, v62  }
0x11f: {  	v15 =	vadd.s32 $0x1000, v9;
	v39 =	vsub.f32 v27, v46;
	v14 =	vld [tilespmem:$0x1FEA0]  }
0x120: {  	v27 =	vsub.f32 v1, v10;
	v1 =	vmul.f32 v55, v12;
	v10 =	vmul.f32 v54, v12;
	v12 =	vld [tilespmem:$0x1FEB0]  }
0x121: {  	v2 =	vmul.f32 v43, v62;
	v62 =	vld.idx.msk [tilespmem:v13+s22+$0x0], $0xffff  }
0x122: {  	v13 =	vld [tilespmem:$0x1FEC0]  }
0x123: {  	v17 =	vld.idx.msk [tilespmem:v17+s22+$0x0], $0xffff;
	v16 =	vmul.f32 v43, v59;
	v28 =	vsub.f32 v11, v0;
	v11 =	vmul.f32 v24, v61  }
0x124: {  	v22 =	vadd.s32 $0x200, v4;
	v15 =	vld.idx.msk [tilespmem:v15+s22+$0x0], $0xffff;
	v0 =	vmul.f32 v44, v61  }
0x125: {  	v25 =	vsub.f32 v11, v16  }
0x126: {  	v16 =	vmul.f32 v55, v63;
	v26 =	vsub.f32 v2, v0;
	v2 =	vmul.f32 v54, v19  }
0x127: {  	v11 =	vmul.f32 v42, v63;
	v0 =	vmul.f32 v42, v19;
	v19 =	vld.idx.msk [tilespmem:v14+s22+$0x0], $0xffff  }
0x128: {  	v61 =	vld.idx.msk [tilespmem:v12+s22+$0x0], $0xffff;
	v12 =	vsub.f32 v2, v16  }
0x129: {  	v2 =	vmul.f32 v56, v17;
	v16 =	vld.idx.msk [tilespmem:v22+s22+$0x0], $0xffff;
	v22 =	vsub.f32 v11, v10;
	v11 =	vmul.f32 v52, v15  }
0x12a: {  	v14 =	vmul.f32 v53, v17;
	v23 =	vsub.f32 v1, v0;
	v1 =	vmul.f32 v52, v58;
	v63 =	vld.idx.msk [tilespmem:v13+s22+$0x0], $0xffff  }
0x12b: {  	v17 =	vsub.f32 v2, v11;
	v2 =	vld [tilespmem:$0x1FF10]  }
0x12c: {  	v48 =	vadd.s32 $0x400, v5;
	v13 =	vsub.f32 v1, v14;
	v14 =	vld [tilespmem:$0x1FEE0]  }
0x12d: {  	v3 =	vld.idx.msk [tilespmem:v3+s22+$0x0], $0xffff  }
0x12e: {  	v5 =	vld.idx.msk [tilespmem:v5+s22+$0x0], $0xffff  }
0x12f: {  	v6 =	vld.idx.msk [tilespmem:v6+s22+$0x0], $0xffff  }
0x130: {  	v49 =	vadd.s32 $0x200, v8;
	v21 =	vadd.s32 $0x200, v7;
	v8 =	vld.idx.msk [tilespmem:v8+s22+$0x0], $0xffff  }
0x131: {  	v51 =	vld.idx.msk [tilespmem:v48+s22+$0x0], $0xffff;
	v10 =	vmul.f32 v53, v15;
	v15 =	vmul.f32 v57, v14  }
0x132: {  	v1 =	vld [tilespmem:$0x1FED0]  }
0x133: {  	v54 =	vsub.f32 v15, v20;
	v15 =	vld.idx.msk [tilespmem:v2+s22+$0x0], $0xffff  }
0x134: {  	v2 =	vld [tilespmem:$0x1FF20]  }
0x135: {  	v59 =	vld.idx.msk [tilespmem:v21+s22+$0x0], $0xffff  }
0x136: {  	v55 =	vld [tilespmem:s28+$0xC90]  }
0x137: {  	v0 =	vmul.f32 v56, v58;
	v58 =	vld [tilespmem:s28+$0xCA0]  }
0x138: {  	v52 =	vld [tilespmem:s28+$0x1900]  }
0x139: {  	v53 =	vld [tilespmem:s28+$0x10];
	v1 =	vmul.f32 v57, v1  }
0x13a: {  	v21 =	vsub.f32 v10, v0;
	v0 =	vld [tilespmem:$0x1FEF0]  }
0x13b: {  	v14 =	vsub.f32 v18, v1;
	v1 =	vld [tilespmem:$0x1FF00]  }
0x13c: {  	v11 =	vld.idx.msk [tilespmem:v2+s22+$0x0], $0xffff  }
0x13d: {  	v2 =	vld.idx.msk [tilespmem:v7+s22+$0x0], $0xffff  }
0x13e: {  	v50 =	vadd.s32 $0x400, v9;
	v7 =	vld.idx.msk [tilespmem:v4+s22+$0x0], $0xffff  }
0x13f: {  	v4 =	vld.idx.msk [tilespmem:v9+s22+$0x0], $0xffff  }
0x140: {  	v9 =	vld [tilespmem:s28+$0x0]  }
0x141: {  	v18 =	vld [tilespmem:s28+$0xC80]  }
0x142: {  	v56 =	vld [tilespmem:s28+$0x20]  }
0x143: {  	v10 =	vld.idx.msk [tilespmem:v50+s22+$0x0], $0xffff  }
0x144: {  	v20 =	vld.idx.msk [tilespmem:v49+s22+$0x0], $0xffff  }
0x145: {  	v2 =	vsub.f32 v9, v2;
	v9 =	vld [tilespmem:s28+$0x1910]  }
0x146: {  	v57 =	vsub.f32 v52, v60;
	v60 =	vld [tilespmem:s28+$0x30];
	v18 =	vsub.f32 v18, v59  }
0x147: {  	v37 =	vsub.f32 v45, v47;
	v59 =	vld [tilespmem:s28+$0x1920];
	v2 =	vadd.f32 v38, v2  }
0x148: {  	v3 =	vsub.f32 v53, v3;
	v0 =	vld.idx.msk [tilespmem:v0+s22+$0x0], $0xffff;
	v18 =	vadd.f32 v18, v39  }
0x149: {  	v19 =	vsub.f32 v55, v19;
	v1 =	vld.idx.msk [tilespmem:v1+s22+$0x0], $0xffff;
	[tilespmem:s28+$0x7780] =	vst v2;
	v2 =	vadd.f32 v57, v37  }
0x14a: {  	v3 =	vadd.f32 v36, v3;
	[tilespmem:s28+$0x8400] =	vst v18;
	v18 =	vld [tilespmem:s28+$0xCB0];
	v9 =	vsub.f32 v9, v61  }
0x14b: {  	v7 =	vsub.f32 v56, v7;
	[tilespmem:s28+$0x9080] =	vst v2;
	v2 =	vadd.f32 v19, v34;
	v19 =	vld [tilespmem:s28+$0x1930]  }
0x14c: {  	[tilespmem:s28+$0x7790] =	vst v3;
	v3 =	vadd.f32 v9, v35;
	v9 =	vsub.f32 v58, v16;
	v16 =	vld [tilespmem:s28+$0x40]  }
0x14d: {  	v61 =	vld [tilespmem:s28+$0xCC0];
	[tilespmem:s28+$0x8410] =	vst v2;
	v2 =	vadd.f32 v32, v7;
	v7 =	vsub.f32 v59, v62  }
0x14e: {  	v5 =	vsub.f32 v60, v5;
	[tilespmem:s28+$0x9090] =	vst v3;
	v3 =	vadd.f32 v9, v31;
	v9 =	vld [tilespmem:s28+$0x1940]  }
0x14f: {  	s29 =	sadd.s32 $0x8, s29;
	v62 =	vld [tilespmem:s28+$0x50];
	[tilespmem:s28+$0x77A0] =	vst v2;
	v2 =	vadd.f32 v7, v33;
	v7 =	vsub.f32 v18, v63  }
0x150: {  	p0 =	slt.u32 s29, $0xC0;
	v63 =	vld [tilespmem:s28+$0xCD0];
	[tilespmem:s28+$0x8420] =	vst v3;
	v3 =	vadd.f32 v28, v5;
	v5 =	vsub.f32 v19, v51  }
.Ltmp0:
0x151: {  	[tilespmem:s28+$0x90A0] =	vst v2;
	v7 =	vadd.f32 v7, v29;
	v16 =	vsub.f32 v16, v6;
	v6 =	vld [tilespmem:s28+$0x1950];
	(pc) =	sbr.rel @p0 .LBB2_2-.Ltmp0, $4  }
0x152: {  	v0 =	vsub.f32 v61, v0;
	v2 =	vld [tilespmem:s28+$0x60];
	[tilespmem:s28+$0x77B0] =	vst v3;
	v5 =	vadd.f32 v5, v30  }
0x153: {  	v3 =	vld [tilespmem:s28+$0xCE0];
	[tilespmem:s28+$0x8430] =	vst v7;
	v7 =	vadd.f32 v26, v16;
	v1 =	vsub.f32 v9, v1  }
0x154: {  	v18 =	vadd.f32 v0, v27;
	v19 =	vsub.f32 v62, v8;
	v8 =	vld [tilespmem:s28+$0x70];
	[tilespmem:s28+$0x90B0] =	vst v5  }
0x155: {  	s30 =	sadd.s32 $0x200, s30;
	v5 =	vld [tilespmem:s28+$0x1960];
	v16 =	vsub.f32 v63, v20;
	[tilespmem:s28+$0x77C0] =	vst v7;
	v9 =	vadd.f32 v1, v25  }
0x156: {  	[tilespmem:s28+$0x8440] =	vst v18;
	v0 =	vadd.f32 v23, v19;
	v1 =	vsub.f32 v6, v15  }
0x157: {  	[tilespmem:s28+$0x90C0] =	vst v9;
	v7 =	vadd.f32 v16, v22;
	v2 =	vsub.f32 v2, v4  }
0x158: {  	[tilespmem:s28+$0x77D0] =	vst v0;
	v55 =	vadd.f32 v1, v12  }
0x159: {  	[tilespmem:s28+$0x8450] =	vst v7;
	v2 =	vadd.f32 v21, v2  }
0x15a: {  	v53 =	vld [tilespmem:s28+$0xCF0];
	[tilespmem:s28+$0x90D0] =	vst v55  }
0x15b: {  	v59 =	vld [tilespmem:$0x1FF30];
	[tilespmem:s28+$0x77E0] =	vst v2  }
0x15c: {  	v61 =	vld [tilespmem:$0x1FF40];
	_ =	sdelay $0x1  }
0x15d: {  	v56 =	vsub.f32 v3, v11  }
0x15e: {  	v57 =	vsub.f32 v5, v10  }
0x15f: {  	v58 =	vadd.f32 v56, v17;
	v1 =	vsub.f32 v8, v59  }
0x160: {  	v60 =	vadd.f32 v57, v13;
	v3 =	vsub.f32 v53, v61  }
0x161: {  	[tilespmem:s28+$0x8460] =	vst v58;
	v62 =	vadd.f32 v14, v1  }
0x162: {  	[tilespmem:s28+$0x90E0] =	vst v60;
	v63 =	vadd.f32 v3, v54  }
0x163: {  	[tilespmem:s28+$0x77F0] =	vst v62  }
0x164: {  	[tilespmem:s28+$0x8470] =	vst v63  }
0x165: {  	[hbm4b:s11+s2] =	stream.linear.scatter [tilespmem:s23], [sflag:$0x1], $0xC80, $0x38;
	[tilespmem:$0x9D00] =	vst v63  }
0x166: {  	_ =	swait.ge [sflag:s15], $0xC80  }
0x167: {  	[sflag:s15] =	ssyncset.done $0x0  }
0x168: {  	[sflag:s15] =	ssyncadd.s32 $0xFFFFF380  }
0x169: {  	[hbm4b:s12+s2] =	stream.linear.scatter [tilespmem:s24], [sflag:$0x1], $0xC80, $0x38;
	[tilespmem:$0x9D00] =	vst v63  }
0x16a: {  	s26 =	sadd.s32 $0x1, s26;
	_ =	swait.ge [sflag:s15], $0xC80  }
0x16b: {  	p0 =	sne.s32 s26, s14;
	[sflag:s15] =	ssyncset.done $0x0  }
.Ltmp1:
0x16c: {  	[sflag:s15] =	ssyncadd.s32 $0xFFFFF380;
	(pc) =	sbr.rel @p0 .LBB2_1-.Ltmp1, $4  }
0x16d: {  	[hbm4b:s13+s2] =	stream.linear.scatter [tilespmem:s25], [sflag:$0x1], $0xC80, $0x38;
	[tilespmem:$0x9D00] =	vst v63  }
0x16e: {  	_ =	swait.ge [sflag:s15], $0xC80  }
0x16f: {  	[sflag:s15] =	ssyncset.done $0x0  }
0x170: {  	[sflag:s15] =	ssyncadd.s32 $0xFFFFF380  }
0x171: {  	_ =	sfence.sel $0x180000  }
0x172: {  	[bflag:$0x0] =	sbarrier.arrive $0xFFFF  }
0x173: {  	p0 =	sne.s32 s0, $0x0;
	_ =	strace $0x90000047  }
0x174: {  	s0 =	sadd.s32 @!p0 $0x100000, s1;
	[bflag:$0x2] =	sbarrier.arrive $0xFFFF  }
0x175: {  	[sflag:s0] =	ssyncadd.tile.s32 @!p0 $0x1;
	_ =	shalt  }
.Lfunc_end2:
_tile_overlayer_lowered:
.L_overlay_start_2:
0x176: {  	(tag) =	ssettag $0x2  }
0x177: {  	s0 =	rddreg [dreg:$0x0];
	s2 =	stileid.u32  }
0x178: {  	s1 =	rddreg [dreg:$0x1];
	p0 =	sne.s32 s2, $0x0  }
0x179: {  	s3 =	rddreg [dreg:$0x2];
	[bflag:$0x3] =	sbarrier.arrive $0xFFFF;
	s2 =	simm.s32 @!p0 $0x1C01  }
0x17a: {  	[timem:s3], [sflag:s2] =	dma.local @!p0 [hbm:s0], s1  }
0x17b: {  	s0 =	simm.s32 @!p0 $0x1  }
0x17c: {  	_ =	swait.ge @!p0 [sflag:s0], s1  }
0x17d: {  	s1 =	ssub.s32 @!p0 $0x0, s1;
	[sflag:s0] =	ssyncset.done @!p0 $0x0  }
0x17e: {  	[sflag:s0] =	ssyncadd.s32 @!p0 s1  }
0x17f: {  	[bflag:$0x3] =	sbarrier.arrive $0xFFFF  }
0x180: {  	_ =	shalt  }

</sc_bundles>
